<compile_context>
chip_gen: v7x
topology: tpu7x:2x2x1
jax: 0.10.2.dev20260603
libtpu: 0.0.44.dev20260713+nightly
codegen_flags: <defaults>
</compile_context>

<pallas_src>
import jax
import jax.numpy as jnp
from jax import lax
from jax.experimental import pallas as pl
from jax.experimental.pallas import tpu as pltpu
from jax.experimental.pallas import tpu_sc as plsc


N_NODES = 10000
NDIM = 2
BATCH = 1024
DEG = 32
K2 = 1.0 / N_NODES
INV_K = float(N_NODES) ** 0.5

NC, NS, L = 2, 16, 16
NW = NC * NS
BPW = BATCH // NW
EPW = BPW * DEG

N_PAD = 10240
SENTINEL = 1.0e17
BT = 256
NT = 2048
NJ = N_PAD // NT

_MAGIC = 0x5F3759DF


def _rsqrt_nr(x):
    y = plsc.bitcast(_MAGIC - (plsc.bitcast(x, jnp.int32) >> 1), jnp.float32)
    y = y * (1.5 - 0.5 * x * y * y)
    y = y * (1.5 - 0.5 * x * y * y)
    return y


def _sc_gather_body(posx_hbm, posy_hbm, idx_hbm, edg_hbm, wts_hbm,
                    pb_hbm, att_hbm,
                    posx_v, posy_v, idx_v, edg_v, wts_v, pb_v, att_v):
    wid = lax.axis_index("s") * NC + lax.axis_index("c")
    base = wid * BPW
    ebase = wid * EPW
    pltpu.sync_copy(posx_hbm, posx_v)
    pltpu.sync_copy(posy_hbm, posy_v)
    pltpu.sync_copy(idx_hbm.at[pl.ds(base, BPW)], idx_v)
    pltpu.sync_copy(edg_hbm.at[pl.ds(ebase, EPW)], edg_v)
    pltpu.sync_copy(wts_hbm.at[pl.ds(ebase, EPW)], wts_v)

    iota = lax.iota(jnp.int32, L)
    zero = jnp.zeros((L,), jnp.float32)

    for h in range(BPW // L):
        iv = idx_v[pl.ds(h * L, L)]
        pxh = plsc.load_gather(posx_v, [iv])
        pyh = plsc.load_gather(posy_v, [iv])
        pb_v[pl.ds(h * L, L)] = pxh
        pb_v[pl.ds(BPW + h * L, L)] = pyh

        def ebody(e, carry):
            ax, ay = carry
            cidx = iota * DEG + (h * L * DEG + e)
            ev = plsc.load_gather(edg_v, [cidx])
            wv = plsc.load_gather(wts_v, [cidx])
            exv = plsc.load_gather(posx_v, [ev])
            eyv = plsc.load_gather(posy_v, [ev])
            dx = pxh - exv
            dy = pyh - eyv
            d2 = jnp.maximum(dx * dx + dy * dy, 1.0e-12)
            dist = jnp.maximum(d2 * _rsqrt_nr(d2), 0.01)
            coef = dist * wv * INV_K
            return ax - dx * coef, ay - dy * coef

        ax, ay = lax.fori_loop(0, DEG, ebody, (zero, zero))
        bloc = iota * 2 + h * (2 * L)
        plsc.store_scatter(att_v, [bloc], ax)
        plsc.store_scatter(att_v, [bloc + 1], ay)

    pltpu.sync_copy(pb_v.at[pl.ds(0, BPW)], pb_hbm.at[pl.ds(base, BPW)])
    pltpu.sync_copy(pb_v.at[pl.ds(BPW, BPW)],
                    pb_hbm.at[pl.ds(BATCH + base, BPW)])
    pltpu.sync_copy(att_v, att_hbm.at[pl.ds(2 * base, 2 * BPW)])


_sc_gather = pl.kernel(
    _sc_gather_body,
    out_type=[
        jax.ShapeDtypeStruct((2 * BATCH,), jnp.float32),
        jax.ShapeDtypeStruct((2 * BATCH,), jnp.float32),
    ],
    mesh=plsc.VectorSubcoreMesh(core_axis_name="c", subcore_axis_name="s"),
    compiler_params=pltpu.CompilerParams(needs_layout_passes=False),
    scratch_types=[
        pltpu.VMEM((N_NODES,), jnp.float32),
        pltpu.VMEM((N_NODES,), jnp.float32),
        pltpu.VMEM((BPW,), jnp.int32),
        pltpu.VMEM((EPW,), jnp.int32),
        pltpu.VMEM((EPW,), jnp.float32),
        pltpu.VMEM((2 * BPW,), jnp.float32),
        pltpu.VMEM((2 * BPW,), jnp.float32),
    ],
)


def _tc_body(pb_ref, posT_ref, u_ref):
    j = pl.program_id(1)
    pb = pb_ref[...]
    px = pb[:, 0:1]
    py = pb[:, 1:2]
    pt = posT_ref[...]

    dx = px - pt[0:1, :]
    dy = py - pt[1:2, :]
    d2 = jnp.maximum(dx * dx + dy * dy, 1.0e-4)
    r = pl.reciprocal(d2, approx=True)
    rx = (dx * r).sum(axis=1, keepdims=True)
    ry = (dy * r).sum(axis=1, keepdims=True)
    contrib = K2 * jnp.concatenate([rx, ry], axis=1)

    @pl.when(j == 0)
    def _():
        u_ref[...] = contrib

    @pl.when(j > 0)
    def _():
        u_ref[...] += contrib


_tc_compute = pl.pallas_call(
    _tc_body,
    grid=(BATCH // BT, NJ),
    in_specs=[
        pl.BlockSpec((BT, 2), lambda i, j: (i, 0)),
        pl.BlockSpec((2, NT), lambda i, j: (0, j)),
    ],
    out_specs=pl.BlockSpec((BT, 2), lambda i, j: (i, 0)),
    out_shape=jax.ShapeDtypeStruct((BATCH, 2), jnp.float32),
    compiler_params=pltpu.CompilerParams(
        dimension_semantics=("parallel", "arbitrary"),
    ),
)


def _sc_scatter_body(idx_hbm, xy_hbm, att_hbm, out_hbm,
                     idx_v, xy_v, att_v, disp_v):
    is_w0 = jnp.logical_and(lax.axis_index("c") == 0, lax.axis_index("s") == 0)

    @pl.when(is_w0)
    def _():
        pltpu.sync_copy(idx_hbm, idx_v)
        pltpu.sync_copy(xy_hbm, xy_v)
        pltpu.sync_copy(att_hbm, att_v)

        zero16 = jnp.zeros((L,), jnp.float32)

        def zb(i, c):
            disp_v[pl.ds(i * L, L)] = zero16
            return c
        lax.fori_loop(0, N_NODES * NDIM // L, zb, 0, unroll=8)

        iota = lax.iota(jnp.int32, L)
        hpat = iota >> 1
        parity = iota & 1

        def grp(g, c):
            for half in range(2):
                ihalf = plsc.load_gather(
                    idx_v, [g * L + half * (L // 2) + hpat])
                addr = ihalf * 2 + parity
                v = (xy_v[pl.ds(g * 2 * L + half * L, L)]
                     + att_v[pl.ds(g * 2 * L + half * L, L)])
                for bb in range(L // 2):
                    plsc.store_scatter(disp_v, [addr], v, mask=hpat == bb)
            return c
        lax.fori_loop(0, BATCH // L, grp, 0, unroll=2)

        pltpu.sync_copy(disp_v, out_hbm)


_sc_scatter = pl.kernel(
    _sc_scatter_body,
    out_type=jax.ShapeDtypeStruct((N_NODES * NDIM,), jnp.float32),
    mesh=plsc.VectorSubcoreMesh(core_axis_name="c", subcore_axis_name="s"),
    compiler_params=pltpu.CompilerParams(needs_layout_passes=False),
    scratch_types=[
        pltpu.VMEM((BATCH,), jnp.int32),
        pltpu.VMEM((2 * BATCH,), jnp.float32),
        pltpu.VMEM((2 * BATCH,), jnp.float32),
        pltpu.VMEM((N_NODES * NDIM,), jnp.float32),
    ],
)


def kernel(idxes, edges, weights, pos):
    idx32 = idxes.astype(jnp.int32)
    edg32 = edges.astype(jnp.int32).reshape(-1)
    wts = weights.reshape(-1)
    posx = pos[:, 0]
    posy = pos[:, 1]

    pb, att = _sc_gather(posx, posy, idx32, edg32, wts)

    pad = (0, N_PAD - N_NODES)
    post = jnp.stack([jnp.pad(posx, pad, constant_values=SENTINEL),
                      jnp.pad(posy, pad, constant_values=SENTINEL)])
    u = _tc_compute(pb.reshape(2, BATCH).T, post)

    disp = _sc_scatter(idx32, u.reshape(-1), att)
    return disp.reshape(N_NODES, NDIM)

# --- scband reference (transcript-rebuilt; emitter-appended) ---
"""Pipeline reference for scband-spring-layout-59983513256292 (READ-ONLY COPY).

The authoritative reference and input builder live on the scoring server;
editing this copy changes nothing except your own understanding.
"""

import jax, jax.numpy as jnp
import numpy as np

N_NODES = 10000
NDIM = 2
BATCH = 1024
DEG = 32

def setup_inputs(seed: int = 0) -> dict:
    key = jax.random.key(seed)
    k1, k2, k3, k4 = jax.random.split(key, 4)
    idxes = jax.random.randint(k1, (BATCH,), 0, N_NODES, dtype=jnp.int64 if jax.config.jax_enable_x64 else jnp.int32)
    edges = jax.random.randint(k2, (BATCH, DEG), 0, N_NODES, dtype=jnp.int64 if jax.config.jax_enable_x64 else jnp.int32)
    weights = jax.random.uniform(k3, (BATCH, DEG), dtype=jnp.float32)
    # learned/parameter state: positions initialized uniform in [0, 1) as in _init_weights
    pos = jax.random.uniform(k4, (N_NODES, NDIM), dtype=jnp.float32)
    return {"idxes": idxes, "edges": edges, "weights": weights, "pos": pos}

def reference(idxes, edges, weights, pos):
    n_nodes = pos.shape[0]
    ndim = pos.shape[1]
    k = np.sqrt(1.0 / n_nodes)
    # pos_batch: [B, ndim]
    pos_batch = pos[idxes, :]
    # delta: [B, N, ndim] pairwise displacement to every node
    delta = pos_batch[:, None, :] - pos[None, :, :]
    distance = jnp.sqrt((delta ** 2).sum(axis=2))
    distance = jnp.where(distance < 0.01, 0.01, distance)
    repulsion = delta * (k * k / distance ** 2)[:, :, None]
    # gather attraction terms along the node axis using edge indices
    attraction_dist = jnp.take_along_axis(distance, edges, axis=1)
    edges_exp = jnp.broadcast_to(edges[:, :, None], (edges.shape[0], edges.shape[1], ndim))
    attraction_delta = jnp.take_along_axis(delta, edges_exp, axis=1)
    attraction = -attraction_delta * (attraction_dist * weights / k)[:, :, None]
    disp_update = repulsion.sum(axis=1) + attraction.sum(axis=1)
    # scatter-overwrite into the displacement buffer (self.displacement[idxes, :] = ...)
    displacement = jnp.zeros((n_nodes, ndim), dtype=pos.dtype).at[idxes].set(disp_update)
    return displacement

if __name__ == "__main__":
    import jax
    _d = setup_inputs()
    print(jax.jit(kernel)(*tuple(_d.values())))

</pallas_src>

<mosaic_0001>
#map = affine_map<(d0, d1) -> (0)>
module attributes {stable_mosaic.version = 14 : i64} {
  func.func @_sc_gather_body(%arg0: i32, %arg1: i32, %arg2: memref<10000xf32, #tpu.memory_space<hbm>>, %arg3: memref<10000xf32, #tpu.memory_space<hbm>>, %arg4: memref<1024xi32, #tpu.memory_space<hbm>>, %arg5: memref<32768xi32, #tpu.memory_space<hbm>>, %arg6: memref<32768xf32, #tpu.memory_space<hbm>>, %arg7: memref<2048xf32, #tpu.memory_space<hbm>>, %arg8: memref<2048xf32, #tpu.memory_space<hbm>>, %arg9: memref<10000xf32, #tpu.memory_space<vmem>>, %arg10: memref<10000xf32, #tpu.memory_space<vmem>>, %arg11: memref<32xi32, #tpu.memory_space<vmem>>, %arg12: memref<1024xi32, #tpu.memory_space<vmem>>, %arg13: memref<1024xf32, #tpu.memory_space<vmem>>, %arg14: memref<64xf32, #tpu.memory_space<vmem>>, %arg15: memref<64xf32, #tpu.memory_space<vmem>>) attributes {dimension_semantics = [#tpu.dimension_semantics<core_parallel>, #tpu.dimension_semantics<subcore_parallel>], iteration_bounds = array<i64: 2, 16>, scalar_prefetch = 0 : i64, scratch_operands = 7 : i64, tpu.core_type = #tpu.core_type<sc_vector_subcore>, window_params = [{transform_indices = #map}, {transform_indices = #map}, {transform_indices = #map}, {transform_indices = #map}, {transform_indices = #map}, {transform_indices = #map}, {transform_indices = #map}]} {
    %mul3A = arith.constant 2 : i32
    %mul3A_0 = arith.muli %arg1, %mul3A : i32
    %add3A = arith.addi %mul3A_0, %arg0 : i32
    %mul3A_1 = arith.constant 32 : i32
    %mul3A_2 = arith.muli %add3A, %mul3A_1 : i32
    %mul3A_3 = arith.constant 1024 : i32
    %mul3A_4 = arith.muli %add3A, %mul3A_3 : i32
    "tpu.region"() ({
      %run_scoped3A = tpu.sem_alloc : memref<!tpu.dma_semaphore, #tpu.memory_space<semaphore_mem>>
      tpu.enqueue_dma source(%arg2 : memref<10000xf32, #tpu.memory_space<hbm>>) target(%arg9 : memref<10000xf32, #tpu.memory_space<vmem>>) target_semaphore(%run_scoped3A : memref<!tpu.dma_semaphore, #tpu.memory_space<semaphore_mem>>)
      tpu.wait_dma2 semaphore(%run_scoped3A : memref<!tpu.dma_semaphore, #tpu.memory_space<semaphore_mem>>) src(%arg2 : memref<10000xf32, #tpu.memory_space<hbm>>) dst(%arg9 : memref<10000xf32, #tpu.memory_space<vmem>>)
      tpu.yield
    }) : () -> ()
    "tpu.region"() ({
      %run_scoped3A = tpu.sem_alloc : memref<!tpu.dma_semaphore, #tpu.memory_space<semaphore_mem>>
      tpu.enqueue_dma source(%arg3 : memref<10000xf32, #tpu.memory_space<hbm>>) target(%arg10 : memref<10000xf32, #tpu.memory_space<vmem>>) target_semaphore(%run_scoped3A : memref<!tpu.dma_semaphore, #tpu.memory_space<semaphore_mem>>)
      tpu.wait_dma2 semaphore(%run_scoped3A : memref<!tpu.dma_semaphore, #tpu.memory_space<semaphore_mem>>) src(%arg3 : memref<10000xf32, #tpu.memory_space<hbm>>) dst(%arg10 : memref<10000xf32, #tpu.memory_space<vmem>>)
      tpu.yield
    }) : () -> ()
    "tpu.region"() ({
      %run_scoped3A = tpu.sem_alloc : memref<!tpu.dma_semaphore, #tpu.memory_space<semaphore_mem>>
      %dma_start3A = tpu.memref_slice %arg4[%mul3A_2] : memref<1024xi32, #tpu.memory_space<hbm>> -> memref<32xi32, #tpu.memory_space<hbm>>
      %dma_start3A_52 = tpu.memref_slice %arg4[%mul3A_2] : memref<1024xi32, #tpu.memory_space<hbm>> -> memref<32xi32, #tpu.memory_space<hbm>>
      tpu.enqueue_dma source(%dma_start3A_52 : memref<32xi32, #tpu.memory_space<hbm>>) target(%arg11 : memref<32xi32, #tpu.memory_space<vmem>>) target_semaphore(%run_scoped3A : memref<!tpu.dma_semaphore, #tpu.memory_space<semaphore_mem>>)
      %dma_wait3A = tpu.memref_slice %arg4[%mul3A_2] : memref<1024xi32, #tpu.memory_space<hbm>> -> memref<32xi32, #tpu.memory_space<hbm>>
      %dma_wait3A_53 = tpu.memref_slice %arg4[%mul3A_2] : memref<1024xi32, #tpu.memory_space<hbm>> -> memref<32xi32, #tpu.memory_space<hbm>>
      tpu.wait_dma2 semaphore(%run_scoped3A : memref<!tpu.dma_semaphore, #tpu.memory_space<semaphore_mem>>) src(%dma_wait3A_53 : memref<32xi32, #tpu.memory_space<hbm>>) dst(%arg11 : memref<32xi32, #tpu.memory_space<vmem>>)
      tpu.yield
    }) : () -> ()
    "tpu.region"() ({
      %run_scoped3A = tpu.sem_alloc : memref<!tpu.dma_semaphore, #tpu.memory_space<semaphore_mem>>
      %dma_start3A = tpu.memref_slice %arg5[%mul3A_4] : memref<32768xi32, #tpu.memory_space<hbm>> -> memref<1024xi32, #tpu.memory_space<hbm>>
      %dma_start3A_52 = tpu.memref_slice %arg5[%mul3A_4] : memref<32768xi32, #tpu.memory_space<hbm>> -> memref<1024xi32, #tpu.memory_space<hbm>>
      tpu.enqueue_dma source(%dma_start3A_52 : memref<1024xi32, #tpu.memory_space<hbm>>) target(%arg12 : memref<1024xi32, #tpu.memory_space<vmem>>) target_semaphore(%run_scoped3A : memref<!tpu.dma_semaphore, #tpu.memory_space<semaphore_mem>>)
      %dma_wait3A = tpu.memref_slice %arg5[%mul3A_4] : memref<32768xi32, #tpu.memory_space<hbm>> -> memref<1024xi32, #tpu.memory_space<hbm>>
      %dma_wait3A_53 = tpu.memref_slice %arg5[%mul3A_4] : memref<32768xi32, #tpu.memory_space<hbm>> -> memref<1024xi32, #tpu.memory_space<hbm>>
      tpu.wait_dma2 semaphore(%run_scoped3A : memref<!tpu.dma_semaphore, #tpu.memory_space<semaphore_mem>>) src(%dma_wait3A_53 : memref<1024xi32, #tpu.memory_space<hbm>>) dst(%arg12 : memref<1024xi32, #tpu.memory_space<vmem>>)
      tpu.yield
    }) : () -> ()
    "tpu.region"() ({
      %run_scoped3A = tpu.sem_alloc : memref<!tpu.dma_semaphore, #tpu.memory_space<semaphore_mem>>
      %dma_start3A = tpu.memref_slice %arg6[%mul3A_4] : memref<32768xf32, #tpu.memory_space<hbm>> -> memref<1024xf32, #tpu.memory_space<hbm>>
      %dma_start3A_52 = tpu.memref_slice %arg6[%mul3A_4] : memref<32768xf32, #tpu.memory_space<hbm>> -> memref<1024xf32, #tpu.memory_space<hbm>>
      tpu.enqueue_dma source(%dma_start3A_52 : memref<1024xf32, #tpu.memory_space<hbm>>) target(%arg13 : memref<1024xf32, #tpu.memory_space<vmem>>) target_semaphore(%run_scoped3A : memref<!tpu.dma_semaphore, #tpu.memory_space<semaphore_mem>>)
      %dma_wait3A = tpu.memref_slice %arg6[%mul3A_4] : memref<32768xf32, #tpu.memory_space<hbm>> -> memref<1024xf32, #tpu.memory_space<hbm>>
      %dma_wait3A_53 = tpu.memref_slice %arg6[%mul3A_4] : memref<32768xf32, #tpu.memory_space<hbm>> -> memref<1024xf32, #tpu.memory_space<hbm>>
      tpu.wait_dma2 semaphore(%run_scoped3A : memref<!tpu.dma_semaphore, #tpu.memory_space<semaphore_mem>>) src(%dma_wait3A_53 : memref<1024xf32, #tpu.memory_space<hbm>>) dst(%arg13 : memref<1024xf32, #tpu.memory_space<vmem>>)
      tpu.yield
    }) : () -> ()
    %iota3A = tpu.iota {dimensions = array<i32: 0>} : vector<16xi32>
    %broadcast_in_dim3A = arith.constant 0.000000e+00 : f32
    %broadcast_in_dim3A_5 = vector.broadcast %broadcast_in_dim3A : f32 to vector<16xf32>
    %get3A = arith.constant 0 : index
    %get3A_6 = tpu.vector_load %arg11[%get3A] {strides = array<i32>} : memref<32xi32, #tpu.memory_space<vmem>>, vector<16xi32>,
    %gather3A = tpu.vector_load_idx %arg9[%get3A_6] : memref<10000xf32, #tpu.memory_space<vmem>>[vector<16xi32>], vector<16xf32>,
    %gather3A_7 = tpu.vector_load_idx %arg10[%get3A_6] : memref<10000xf32, #tpu.memory_space<vmem>>[vector<16xi32>], vector<16xf32>,
    %swap3A = arith.constant 0 : index
    %swap3A_8 = tpu.vector_load %arg14[%swap3A] {strides = array<i32>} : memref<64xf32, #tpu.memory_space<vmem>>, vector<16xf32>,
    tpu.vector_store %arg14[%swap3A], %gather3A {strides = array<i32>} : memref<64xf32, #tpu.memory_space<vmem>>, vector<16xf32>,
    %swap3A_9 = arith.constant 32 : index
    %swap3A_10 = tpu.vector_load %arg14[%swap3A_9] {strides = array<i32>} : memref<64xf32, #tpu.memory_space<vmem>>, vector<16xf32>,
    tpu.vector_store %arg14[%swap3A_9], %gather3A_7 {strides = array<i32>} : memref<64xf32, #tpu.memory_space<vmem>>, vector<16xf32>,
    %scan3A = arith.constant 0 : i32
    %scan3A_11 = arith.constant 32 : i32
    %scan3A_12 = arith.addi %scan3A, %scan3A_11 : i32
    %scan3A_13 = arith.constant 1 : i32
    %scan3A_14:2 = scf.for %scan3A_52 = %scan3A to %scan3A_12 step %scan3A_13 iter_args(%scan3A_53 = %broadcast_in_dim3A_5, %scan3A_54 = %broadcast_in_dim3A_5) -> (vector<16xf32>, vector<16xf32>)  : i32 {
      %mul3A_55 = arith.constant 32 : i32
      %mul3A_56 = vector.broadcast %mul3A_55 : i32 to vector<16xi32>
      %mul3A_57 = arith.muli %iota3A, %mul3A_56 : vector<16xi32>
      %add3A_58 = arith.constant 0 : i32
      %add3A_59 = arith.addi %add3A_58, %scan3A_52 : i32
      %add3A_60 = vector.broadcast %add3A_59 : i32 to vector<16xi32>
      %add3A_61 = arith.addi %mul3A_57, %add3A_60 : vector<16xi32>
      %gather3A_62 = tpu.vector_load_idx %arg12[%add3A_61] : memref<1024xi32, #tpu.memory_space<vmem>>[vector<16xi32>], vector<16xi32>,
      %gather3A_63 = tpu.vector_load_idx %arg13[%add3A_61] : memref<1024xf32, #tpu.memory_space<vmem>>[vector<16xi32>], vector<16xf32>,
      %gather3A_64 = tpu.vector_load_idx %arg9[%gather3A_62] : memref<10000xf32, #tpu.memory_space<vmem>>[vector<16xi32>], vector<16xf32>,
      %gather3A_65 = tpu.vector_load_idx %arg10[%gather3A_62] : memref<10000xf32, #tpu.memory_space<vmem>>[vector<16xi32>], vector<16xf32>,
      %sub3A = arith.subf %gather3A, %gather3A_64 : vector<16xf32>
      %sub3A_66 = arith.subf %gather3A_7, %gather3A_65 : vector<16xf32>
      %mul3A_67 = arith.mulf %sub3A, %sub3A : vector<16xf32>
      %mul3A_68 = arith.mulf %sub3A_66, %sub3A_66 : vector<16xf32>
      %add3A_69 = arith.addf %mul3A_67, %mul3A_68 : vector<16xf32>
      %max3A = arith.constant 9.99999996E-13 : f32
      %max3A_70 = vector.broadcast %max3A : f32 to vector<16xf32>
      %max3A_71 = arith.maximumf %add3A_69, %max3A_70 : vector<16xf32>
      %bitcast3A = vector.bitcast %max3A_71 : vector<16xf32> to vector<16xi32>
      %shift_right_arithmetic3A = arith.constant 1 : i32
      %shift_right_arithmetic3A_72 = vector.broadcast %shift_right_arithmetic3A : i32 to vector<16xi32>
      %shift_right_arithmetic3A_73 = arith.shrsi %bitcast3A, %shift_right_arithmetic3A_72 : vector<16xi32>
      %sub3A_74 = arith.constant 1597463007 : i32
      %sub3A_75 = vector.broadcast %sub3A_74 : i32 to vector<16xi32>
      %sub3A_76 = arith.subi %sub3A_75, %shift_right_arithmetic3A_73 : vector<16xi32>
      %bitcast3A_77 = vector.bitcast %sub3A_76 : vector<16xi32> to vector<16xf32>
      %mul3A_78 = arith.constant 5.000000e-01 : f32
      %mul3A_79 = vector.broadcast %mul3A_78 : f32 to vector<16xf32>
      %mul3A_80 = arith.mulf %mul3A_79, %max3A_71 : vector<16xf32>
      %mul3A_81 = arith.mulf %mul3A_80, %bitcast3A_77 : vector<16xf32>
      %mul3A_82 = arith.mulf %mul3A_81, %bitcast3A_77 : vector<16xf32>
      %sub3A_83 = arith.constant 1.500000e+00 : f32
      %sub3A_84 = vector.broadcast %sub3A_83 : f32 to vector<16xf32>
      %sub3A_85 = arith.subf %sub3A_84, %mul3A_82 : vector<16xf32>
      %mul3A_86 = arith.mulf %bitcast3A_77, %sub3A_85 : vector<16xf32>
      %mul3A_87 = arith.constant 5.000000e-01 : f32
      %mul3A_88 = vector.broadcast %mul3A_87 : f32 to vector<16xf32>
      %mul3A_89 = arith.mulf %mul3A_88, %max3A_71 : vector<16xf32>
      %mul3A_90 = arith.mulf %mul3A_89, %mul3A_86 : vector<16xf32>
      %mul3A_91 = arith.mulf %mul3A_90, %mul3A_86 : vector<16xf32>
      %sub3A_92 = arith.constant 1.500000e+00 : f32
      %sub3A_93 = vector.broadcast %sub3A_92 : f32 to vector<16xf32>
      %sub3A_94 = arith.subf %sub3A_93, %mul3A_91 : vector<16xf32>
      %mul3A_95 = arith.mulf %mul3A_86, %sub3A_94 : vector<16xf32>
      %mul3A_96 = arith.mulf %max3A_71, %mul3A_95 : vector<16xf32>
      %max3A_97 = arith.constant 0.00999999977 : f32
      %max3A_98 = vector.broadcast %max3A_97 : f32 to vector<16xf32>
      %max3A_99 = arith.maximumf %mul3A_96, %max3A_98 : vector<16xf32>
      %mul3A_100 = arith.mulf %max3A_99, %gather3A_63 : vector<16xf32>
      %mul3A_101 = arith.constant 1.000000e+02 : f32
      %mul3A_102 = vector.broadcast %mul3A_101 : f32 to vector<16xf32>
      %mul3A_103 = arith.mulf %mul3A_100, %mul3A_102 : vector<16xf32>
      %mul3A_104 = arith.mulf %sub3A, %mul3A_103 : vector<16xf32>
      %sub3A_105 = arith.subf %scan3A_53, %mul3A_104 : vector<16xf32>
      %mul3A_106 = arith.mulf %sub3A_66, %mul3A_103 : vector<16xf32>
      %sub3A_107 = arith.subf %scan3A_54, %mul3A_106 : vector<16xf32>
      scf.yield %sub3A_105, %sub3A_107 : vector<16xf32>, vector<16xf32>
    }
    %scan3A_15 = arith.constant 32 : i32
    %mul3A_16 = arith.constant 2 : i32
    %mul3A_17 = vector.broadcast %mul3A_16 : i32 to vector<16xi32>
    %mul3A_18 = arith.muli %iota3A, %mul3A_17 : vector<16xi32>
    %add3A_19 = arith.constant 0 : i32
    %add3A_20 = vector.broadcast %add3A_19 : i32 to vector<16xi32>
    %add3A_21 = arith.addi %mul3A_18, %add3A_20 : vector<16xi32>
    tpu.vector_store_idx %arg15[%add3A_21], %scan3A_14#0 : memref<64xf32, #tpu.memory_space<vmem>>[vector<16xi32>], vector<16xf32>,
    %add3A_22 = arith.constant 1 : i32
    %add3A_23 = vector.broadcast %add3A_22 : i32 to vector<16xi32>
    %add3A_24 = arith.addi %add3A_21, %add3A_23 : vector<16xi32>
    tpu.vector_store_idx %arg15[%add3A_24], %scan3A_14#1 : memref<64xf32, #tpu.memory_space<vmem>>[vector<16xi32>], vector<16xf32>,
    %get3A_25 = arith.constant 16 : index
    %get3A_26 = tpu.vector_load %arg11[%get3A_25] {strides = array<i32>} : memref<32xi32, #tpu.memory_space<vmem>>, vector<16xi32>,
    %gather3A_27 = tpu.vector_load_idx %arg9[%get3A_26] : memref<10000xf32, #tpu.memory_space<vmem>>[vector<16xi32>], vector<16xf32>,
    %gather3A_28 = tpu.vector_load_idx %arg10[%get3A_26] : memref<10000xf32, #tpu.memory_space<vmem>>[vector<16xi32>], vector<16xf32>,
    %swap3A_29 = arith.constant 16 : index
    %swap3A_30 = tpu.vector_load %arg14[%swap3A_29] {strides = array<i32>} : memref<64xf32, #tpu.memory_space<vmem>>, vector<16xf32>,
    tpu.vector_store %arg14[%swap3A_29], %gather3A_27 {strides = array<i32>} : memref<64xf32, #tpu.memory_space<vmem>>, vector<16xf32>,
    %swap3A_31 = arith.constant 48 : index
    %swap3A_32 = tpu.vector_load %arg14[%swap3A_31] {strides = array<i32>} : memref<64xf32, #tpu.memory_space<vmem>>, vector<16xf32>,
    tpu.vector_store %arg14[%swap3A_31], %gather3A_28 {strides = array<i32>} : memref<64xf32, #tpu.memory_space<vmem>>, vector<16xf32>,
    %scan3A_33 = arith.constant 0 : i32
    %scan3A_34 = arith.constant 32 : i32
    %scan3A_35 = arith.addi %scan3A_33, %scan3A_34 : i32
    %scan3A_36 = arith.constant 1 : i32
    %scan3A_37:2 = scf.for %scan3A_52 = %scan3A_33 to %scan3A_35 step %scan3A_36 iter_args(%scan3A_53 = %broadcast_in_dim3A_5, %scan3A_54 = %broadcast_in_dim3A_5) -> (vector<16xf32>, vector<16xf32>)  : i32 {
      %mul3A_55 = arith.constant 32 : i32
      %mul3A_56 = vector.broadcast %mul3A_55 : i32 to vector<16xi32>
      %mul3A_57 = arith.muli %iota3A, %mul3A_56 : vector<16xi32>
      %add3A_58 = arith.constant 512 : i32
      %add3A_59 = arith.addi %add3A_58, %scan3A_52 : i32
      %add3A_60 = vector.broadcast %add3A_59 : i32 to vector<16xi32>
      %add3A_61 = arith.addi %mul3A_57, %add3A_60 : vector<16xi32>
      %gather3A_62 = tpu.vector_load_idx %arg12[%add3A_61] : memref<1024xi32, #tpu.memory_space<vmem>>[vector<16xi32>], vector<16xi32>,
      %gather3A_63 = tpu.vector_load_idx %arg13[%add3A_61] : memref<1024xf32, #tpu.memory_space<vmem>>[vector<16xi32>], vector<16xf32>,
      %gather3A_64 = tpu.vector_load_idx %arg9[%gather3A_62] : memref<10000xf32, #tpu.memory_space<vmem>>[vector<16xi32>], vector<16xf32>,
      %gather3A_65 = tpu.vector_load_idx %arg10[%gather3A_62] : memref<10000xf32, #tpu.memory_space<vmem>>[vector<16xi32>], vector<16xf32>,
      %sub3A = arith.subf %gather3A_27, %gather3A_64 : vector<16xf32>
      %sub3A_66 = arith.subf %gather3A_28, %gather3A_65 : vector<16xf32>
      %mul3A_67 = arith.mulf %sub3A, %sub3A : vector<16xf32>
      %mul3A_68 = arith.mulf %sub3A_66, %sub3A_66 : vector<16xf32>
      %add3A_69 = arith.addf %mul3A_67, %mul3A_68 : vector<16xf32>
      %max3A = arith.constant 9.99999996E-13 : f32
      %max3A_70 = vector.broadcast %max3A : f32 to vector<16xf32>
      %max3A_71 = arith.maximumf %add3A_69, %max3A_70 : vector<16xf32>
      %bitcast3A = vector.bitcast %max3A_71 : vector<16xf32> to vector<16xi32>
      %shift_right_arithmetic3A = arith.constant 1 : i32
      %shift_right_arithmetic3A_72 = vector.broadcast %shift_right_arithmetic3A : i32 to vector<16xi32>
      %shift_right_arithmetic3A_73 = arith.shrsi %bitcast3A, %shift_right_arithmetic3A_72 : vector<16xi32>
      %sub3A_74 = arith.constant 1597463007 : i32
      %sub3A_75 = vector.broadcast %sub3A_74 : i32 to vector<16xi32>
      %sub3A_76 = arith.subi %sub3A_75, %shift_right_arithmetic3A_73 : vector<16xi32>
      %bitcast3A_77 = vector.bitcast %sub3A_76 : vector<16xi32> to vector<16xf32>
      %mul3A_78 = arith.constant 5.000000e-01 : f32
      %mul3A_79 = vector.broadcast %mul3A_78 : f32 to vector<16xf32>
      %mul3A_80 = arith.mulf %mul3A_79, %max3A_71 : vector<16xf32>
      %mul3A_81 = arith.mulf %mul3A_80, %bitcast3A_77 : vector<16xf32>
      %mul3A_82 = arith.mulf %mul3A_81, %bitcast3A_77 : vector<16xf32>
      %sub3A_83 = arith.constant 1.500000e+00 : f32
      %sub3A_84 = vector.broadcast %sub3A_83 : f32 to vector<16xf32>
      %sub3A_85 = arith.subf %sub3A_84, %mul3A_82 : vector<16xf32>
      %mul3A_86 = arith.mulf %bitcast3A_77, %sub3A_85 : vector<16xf32>
      %mul3A_87 = arith.constant 5.000000e-01 : f32
      %mul3A_88 = vector.broadcast %mul3A_87 : f32 to vector<16xf32>
      %mul3A_89 = arith.mulf %mul3A_88, %max3A_71 : vector<16xf32>
      %mul3A_90 = arith.mulf %mul3A_89, %mul3A_86 : vector<16xf32>
      %mul3A_91 = arith.mulf %mul3A_90, %mul3A_86 : vector<16xf32>
      %sub3A_92 = arith.constant 1.500000e+00 : f32
      %sub3A_93 = vector.broadcast %sub3A_92 : f32 to vector<16xf32>
      %sub3A_94 = arith.subf %sub3A_93, %mul3A_91 : vector<16xf32>
      %mul3A_95 = arith.mulf %mul3A_86, %sub3A_94 : vector<16xf32>
      %mul3A_96 = arith.mulf %max3A_71, %mul3A_95 : vector<16xf32>
      %max3A_97 = arith.constant 0.00999999977 : f32
      %max3A_98 = vector.broadcast %max3A_97 : f32 to vector<16xf32>
      %max3A_99 = arith.maximumf %mul3A_96, %max3A_98 : vector<16xf32>
      %mul3A_100 = arith.mulf %max3A_99, %gather3A_63 : vector<16xf32>
      %mul3A_101 = arith.constant 1.000000e+02 : f32
      %mul3A_102 = vector.broadcast %mul3A_101 : f32 to vector<16xf32>
      %mul3A_103 = arith.mulf %mul3A_100, %mul3A_102 : vector<16xf32>
      %mul3A_104 = arith.mulf %sub3A, %mul3A_103 : vector<16xf32>
      %sub3A_105 = arith.subf %scan3A_53, %mul3A_104 : vector<16xf32>
      %mul3A_106 = arith.mulf %sub3A_66, %mul3A_103 : vector<16xf32>
      %sub3A_107 = arith.subf %scan3A_54, %mul3A_106 : vector<16xf32>
      scf.yield %sub3A_105, %sub3A_107 : vector<16xf32>, vector<16xf32>
    }
    %scan3A_38 = arith.constant 32 : i32
    %mul3A_39 = arith.constant 2 : i32
    %mul3A_40 = vector.broadcast %mul3A_39 : i32 to vector<16xi32>
    %mul3A_41 = arith.muli %iota3A, %mul3A_40 : vector<16xi32>
    %add3A_42 = arith.constant 32 : i32
    %add3A_43 = vector.broadcast %add3A_42 : i32 to vector<16xi32>
    %add3A_44 = arith.addi %mul3A_41, %add3A_43 : vector<16xi32>
    tpu.vector_store_idx %arg15[%add3A_44], %scan3A_37#0 : memref<64xf32, #tpu.memory_space<vmem>>[vector<16xi32>], vector<16xf32>,
    %add3A_45 = arith.constant 1 : i32
    %add3A_46 = vector.broadcast %add3A_45 : i32 to vector<16xi32>
    %add3A_47 = arith.addi %add3A_44, %add3A_46 : vector<16xi32>
    tpu.vector_store_idx %arg15[%add3A_47], %scan3A_37#1 : memref<64xf32, #tpu.memory_space<vmem>>[vector<16xi32>], vector<16xf32>,
    "tpu.region"() ({
      %run_scoped3A = tpu.sem_alloc : memref<!tpu.dma_semaphore, #tpu.memory_space<semaphore_mem>>
      %dma_start3A = arith.constant 0 : i32
      %dma_start3A_52 = tpu.memref_slice %arg14[%dma_start3A] : memref<64xf32, #tpu.memory_space<vmem>> -> memref<32xf32, #tpu.memory_space<vmem>>
      %dma_start3A_53 = tpu.memref_slice %arg7[%mul3A_2] : memref<2048xf32, #tpu.memory_space<hbm>> -> memref<32xf32, #tpu.memory_space<hbm>>
      %dma_start3A_54 = tpu.memref_slice %arg7[%mul3A_2] : memref<2048xf32, #tpu.memory_space<hbm>> -> memref<32xf32, #tpu.memory_space<hbm>>
      %dma_start3A_55 = arith.constant 0 : i32
      %dma_start3A_56 = tpu.memref_slice %arg14[%dma_start3A_55] : memref<64xf32, #tpu.memory_space<vmem>> -> memref<32xf32, #tpu.memory_space<vmem>>
      tpu.enqueue_dma source(%dma_start3A_56 : memref<32xf32, #tpu.memory_space<vmem>>) target(%dma_start3A_54 : memref<32xf32, #tpu.memory_space<hbm>>) target_semaphore(%run_scoped3A : memref<!tpu.dma_semaphore, #tpu.memory_space<semaphore_mem>>)
      %dma_wait3A = arith.constant 0 : i32
      %dma_wait3A_57 = tpu.memref_slice %arg14[%dma_wait3A] : memref<64xf32, #tpu.memory_space<vmem>> -> memref<32xf32, #tpu.memory_space<vmem>>
      %dma_wait3A_58 = tpu.memref_slice %arg7[%mul3A_2] : memref<2048xf32, #tpu.memory_space<hbm>> -> memref<32xf32, #tpu.memory_space<hbm>>
      %dma_wait3A_59 = tpu.memref_slice %arg7[%mul3A_2] : memref<2048xf32, #tpu.memory_space<hbm>> -> memref<32xf32, #tpu.memory_space<hbm>>
      %dma_wait3A_60 = arith.constant 0 : i32
      %dma_wait3A_61 = tpu.memref_slice %arg14[%dma_wait3A_60] : memref<64xf32, #tpu.memory_space<vmem>> -> memref<32xf32, #tpu.memory_space<vmem>>
      tpu.wait_dma2 semaphore(%run_scoped3A : memref<!tpu.dma_semaphore, #tpu.memory_space<semaphore_mem>>) src(%dma_wait3A_61 : memref<32xf32, #tpu.memory_space<vmem>>) dst(%dma_wait3A_59 : memref<32xf32, #tpu.memory_space<hbm>>)
      tpu.yield
    }) : () -> ()
    %add3A_48 = arith.constant 1024 : i32
    %add3A_49 = arith.addi %add3A_48, %mul3A_2 : i32
    "tpu.region"() ({
      %run_scoped3A = tpu.sem_alloc : memref<!tpu.dma_semaphore, #tpu.memory_space<semaphore_mem>>
      %dma_start3A = arith.constant 32 : i32
      %dma_start3A_52 = tpu.memref_slice %arg14[%dma_start3A] : memref<64xf32, #tpu.memory_space<vmem>> -> memref<32xf32, #tpu.memory_space<vmem>>
      %dma_start3A_53 = tpu.memref_slice %arg7[%add3A_49] : memref<2048xf32, #tpu.memory_space<hbm>> -> memref<32xf32, #tpu.memory_space<hbm>>
      %dma_start3A_54 = tpu.memref_slice %arg7[%add3A_49] : memref<2048xf32, #tpu.memory_space<hbm>> -> memref<32xf32, #tpu.memory_space<hbm>>
      %dma_start3A_55 = arith.constant 32 : i32
      %dma_start3A_56 = tpu.memref_slice %arg14[%dma_start3A_55] : memref<64xf32, #tpu.memory_space<vmem>> -> memref<32xf32, #tpu.memory_space<vmem>>
      tpu.enqueue_dma source(%dma_start3A_56 : memref<32xf32, #tpu.memory_space<vmem>>) target(%dma_start3A_54 : memref<32xf32, #tpu.memory_space<hbm>>) target_semaphore(%run_scoped3A : memref<!tpu.dma_semaphore, #tpu.memory_space<semaphore_mem>>)
      %dma_wait3A = arith.constant 32 : i32
      %dma_wait3A_57 = tpu.memref_slice %arg14[%dma_wait3A] : memref<64xf32, #tpu.memory_space<vmem>> -> memref<32xf32, #tpu.memory_space<vmem>>
      %dma_wait3A_58 = tpu.memref_slice %arg7[%add3A_49] : memref<2048xf32, #tpu.memory_space<hbm>> -> memref<32xf32, #tpu.memory_space<hbm>>
      %dma_wait3A_59 = tpu.memref_slice %arg7[%add3A_49] : memref<2048xf32, #tpu.memory_space<hbm>> -> memref<32xf32, #tpu.memory_space<hbm>>
      %dma_wait3A_60 = arith.constant 32 : i32
      %dma_wait3A_61 = tpu.memref_slice %arg14[%dma_wait3A_60] : memref<64xf32, #tpu.memory_space<vmem>> -> memref<32xf32, #tpu.memory_space<vmem>>
      tpu.wait_dma2 semaphore(%run_scoped3A : memref<!tpu.dma_semaphore, #tpu.memory_space<semaphore_mem>>) src(%dma_wait3A_61 : memref<32xf32, #tpu.memory_space<vmem>>) dst(%dma_wait3A_59 : memref<32xf32, #tpu.memory_space<hbm>>)
      tpu.yield
    }) : () -> ()
    %mul3A_50 = arith.constant 2 : i32
    %mul3A_51 = arith.muli %mul3A_50, %mul3A_2 : i32
    "tpu.region"() ({
      %run_scoped3A = tpu.sem_alloc : memref<!tpu.dma_semaphore, #tpu.memory_space<semaphore_mem>>
      %dma_start3A = tpu.memref_slice %arg8[%mul3A_51] : memref<2048xf32, #tpu.memory_space<hbm>> -> memref<64xf32, #tpu.memory_space<hbm>>
      %dma_start3A_52 = tpu.memref_slice %arg8[%mul3A_51] : memref<2048xf32, #tpu.memory_space<hbm>> -> memref<64xf32, #tpu.memory_space<hbm>>
      tpu.enqueue_dma source(%arg15 : memref<64xf32, #tpu.memory_space<vmem>>) target(%dma_start3A_52 : memref<64xf32, #tpu.memory_space<hbm>>) target_semaphore(%run_scoped3A : memref<!tpu.dma_semaphore, #tpu.memory_space<semaphore_mem>>)
      %dma_wait3A = tpu.memref_slice %arg8[%mul3A_51] : memref<2048xf32, #tpu.memory_space<hbm>> -> memref<64xf32, #tpu.memory_space<hbm>>
      %dma_wait3A_53 = tpu.memref_slice %arg8[%mul3A_51] : memref<2048xf32, #tpu.memory_space<hbm>> -> memref<64xf32, #tpu.memory_space<hbm>>
      tpu.wait_dma2 semaphore(%run_scoped3A : memref<!tpu.dma_semaphore, #tpu.memory_space<semaphore_mem>>) src(%arg15 : memref<64xf32, #tpu.memory_space<vmem>>) dst(%dma_wait3A_53 : memref<64xf32, #tpu.memory_space<hbm>>)
      tpu.yield
    }) : () -> ()
    return
  }
}

#map = affine_map<(d0, d1) -> (0)>
module attributes {stable_mosaic.version = 14 : i64} {
  func.func @_sc_scatter_body(%arg0: i32, %arg1: i32, %arg2: memref<1024xi32, #tpu.memory_space<hbm>>, %arg3: memref<2048xf32, #tpu.memory_space<hbm>>, %arg4: memref<2048xf32, #tpu.memory_space<hbm>>, %arg5: memref<20000xf32, #tpu.memory_space<hbm>>, %arg6: memref<1024xi32, #tpu.memory_space<vmem>>, %arg7: memref<2048xf32, #tpu.memory_space<vmem>>, %arg8: memref<2048xf32, #tpu.memory_space<vmem>>, %arg9: memref<20000xf32, #tpu.memory_space<vmem>>) attributes {dimension_semantics = [#tpu.dimension_semantics<core_parallel>, #tpu.dimension_semantics<subcore_parallel>], iteration_bounds = array<i64: 2, 16>, scalar_prefetch = 0 : i64, scratch_operands = 4 : i64, tpu.core_type = #tpu.core_type<sc_vector_subcore>, window_params = [{transform_indices = #map}, {transform_indices = #map}, {transform_indices = #map}, {transform_indices = #map}]} {
    %eq3A = arith.constant 0 : i32
    %eq3A_0 = arith.cmpi eq, %arg0, %eq3A : i32
    %eq3A_1 = arith.constant 0 : i32
    %eq3A_2 = arith.cmpi eq, %arg1, %eq3A_1 : i32
    %and3A = arith.andi %eq3A_0, %eq3A_2 : i1
    %convert_element_type3A = arith.extui %and3A : i1 to i32
    %cond3A = arith.constant 0 : i32
    %cond3A_3 = arith.cmpi ne, %convert_element_type3A, %cond3A : i32
    scf.if %cond3A_3 {
      "tpu.region"() ({
        %run_scoped3A = tpu.sem_alloc : memref<!tpu.dma_semaphore, #tpu.memory_space<semaphore_mem>>
        tpu.enqueue_dma source(%arg2 : memref<1024xi32, #tpu.memory_space<hbm>>) target(%arg6 : memref<1024xi32, #tpu.memory_space<vmem>>) target_semaphore(%run_scoped3A : memref<!tpu.dma_semaphore, #tpu.memory_space<semaphore_mem>>)
        tpu.wait_dma2 semaphore(%run_scoped3A : memref<!tpu.dma_semaphore, #tpu.memory_space<semaphore_mem>>) src(%arg2 : memref<1024xi32, #tpu.memory_space<hbm>>) dst(%arg6 : memref<1024xi32, #tpu.memory_space<vmem>>)
        tpu.yield
      }) : () -> ()
      "tpu.region"() ({
        %run_scoped3A = tpu.sem_alloc : memref<!tpu.dma_semaphore, #tpu.memory_space<semaphore_mem>>
        tpu.enqueue_dma source(%arg3 : memref<2048xf32, #tpu.memory_space<hbm>>) target(%arg7 : memref<2048xf32, #tpu.memory_space<vmem>>) target_semaphore(%run_scoped3A : memref<!tpu.dma_semaphore, #tpu.memory_space<semaphore_mem>>)
        tpu.wait_dma2 semaphore(%run_scoped3A : memref<!tpu.dma_semaphore, #tpu.memory_space<semaphore_mem>>) src(%arg3 : memref<2048xf32, #tpu.memory_space<hbm>>) dst(%arg7 : memref<2048xf32, #tpu.memory_space<vmem>>)
        tpu.yield
      }) : () -> ()
      "tpu.region"() ({
        %run_scoped3A = tpu.sem_alloc : memref<!tpu.dma_semaphore, #tpu.memory_space<semaphore_mem>>
        tpu.enqueue_dma source(%arg4 : memref<2048xf32, #tpu.memory_space<hbm>>) target(%arg8 : memref<2048xf32, #tpu.memory_space<vmem>>) target_semaphore(%run_scoped3A : memref<!tpu.dma_semaphore, #tpu.memory_space<semaphore_mem>>)
        tpu.wait_dma2 semaphore(%run_scoped3A : memref<!tpu.dma_semaphore, #tpu.memory_space<semaphore_mem>>) src(%arg4 : memref<2048xf32, #tpu.memory_space<hbm>>) dst(%arg8 : memref<2048xf32, #tpu.memory_space<vmem>>)
        tpu.yield
      }) : () -> ()
      %broadcast_in_dim3A = arith.constant 0.000000e+00 : f32
      %broadcast_in_dim3A_4 = vector.broadcast %broadcast_in_dim3A : f32 to vector<16xf32>
      %scan3A = arith.constant 0 : i32
      %scan3A_5 = arith.constant 0 : i32
      %scan3A_6 = arith.constant 1248 : i32
      %scan3A_7 = arith.addi %scan3A_5, %scan3A_6 : i32
      %scan3A_8 = arith.constant 8 : i32
      scf.for %scan3A_31 = %scan3A_5 to %scan3A_7 step %scan3A_8  : i32 {
        %mul3A_32 = arith.constant 16 : i32
        %mul3A_33 = arith.muli %scan3A_31, %mul3A_32 : i32
        %swap3A_34 = arith.index_cast %mul3A_33 : i32 to index
        %swap3A_35 = tpu.vector_load %arg9[%swap3A_34] {strides = array<i32>} : memref<20000xf32, #tpu.memory_space<vmem>>, vector<16xf32>,
        tpu.vector_store %arg9[%swap3A_34], %broadcast_in_dim3A_4 {strides = array<i32>} : memref<20000xf32, #tpu.memory_space<vmem>>, vector<16xf32>,
        %scan3A_36 = arith.constant 1 : i32
        %scan3A_37 = arith.addi %scan3A_31, %scan3A_36 : i32
        %mul3A_38 = arith.constant 16 : i32
        %mul3A_39 = arith.muli %scan3A_37, %mul3A_38 : i32
        %swap3A_40 = arith.index_cast %mul3A_39 : i32 to index
        %swap3A_41 = tpu.vector_load %arg9[%swap3A_40] {strides = array<i32>} : memref<20000xf32, #tpu.memory_space<vmem>>, vector<16xf32>,
        tpu.vector_store %arg9[%swap3A_40], %broadcast_in_dim3A_4 {strides = array<i32>} : memref<20000xf32, #tpu.memory_space<vmem>>, vector<16xf32>,
        %scan3A_42 = arith.constant 2 : i32
        %scan3A_43 = arith.addi %scan3A_31, %scan3A_42 : i32
        %mul3A_44 = arith.constant 16 : i32
        %mul3A_45 = arith.muli %scan3A_43, %mul3A_44 : i32
        %swap3A_46 = arith.index_cast %mul3A_45 : i32 to index
        %swap3A_47 = tpu.vector_load %arg9[%swap3A_46] {strides = array<i32>} : memref<20000xf32, #tpu.memory_space<vmem>>, vector<16xf32>,
        tpu.vector_store %arg9[%swap3A_46], %broadcast_in_dim3A_4 {strides = array<i32>} : memref<20000xf32, #tpu.memory_space<vmem>>, vector<16xf32>,
        %scan3A_48 = arith.constant 3 : i32
        %scan3A_49 = arith.addi %scan3A_31, %scan3A_48 : i32
        %mul3A_50 = arith.constant 16 : i32
        %mul3A_51 = arith.muli %scan3A_49, %mul3A_50 : i32
        %swap3A_52 = arith.index_cast %mul3A_51 : i32 to index
        %swap3A_53 = tpu.vector_load %arg9[%swap3A_52] {strides = array<i32>} : memref<20000xf32, #tpu.memory_space<vmem>>, vector<16xf32>,
        tpu.vector_store %arg9[%swap3A_52], %broadcast_in_dim3A_4 {strides = array<i32>} : memref<20000xf32, #tpu.memory_space<vmem>>, vector<16xf32>,
        %scan3A_54 = arith.constant 4 : i32
        %scan3A_55 = arith.addi %scan3A_31, %scan3A_54 : i32
        %mul3A_56 = arith.constant 16 : i32
        %mul3A_57 = arith.muli %scan3A_55, %mul3A_56 : i32
        %swap3A_58 = arith.index_cast %mul3A_57 : i32 to index
        %swap3A_59 = tpu.vector_load %arg9[%swap3A_58] {strides = array<i32>} : memref<20000xf32, #tpu.memory_space<vmem>>, vector<16xf32>,
        tpu.vector_store %arg9[%swap3A_58], %broadcast_in_dim3A_4 {strides = array<i32>} : memref<20000xf32, #tpu.memory_space<vmem>>, vector<16xf32>,
        %scan3A_60 = arith.constant 5 : i32
        %scan3A_61 = arith.addi %scan3A_31, %scan3A_60 : i32
        %mul3A_62 = arith.constant 16 : i32
        %mul3A_63 = arith.muli %scan3A_61, %mul3A_62 : i32
        %swap3A_64 = arith.index_cast %mul3A_63 : i32 to index
        %swap3A_65 = tpu.vector_load %arg9[%swap3A_64] {strides = array<i32>} : memref<20000xf32, #tpu.memory_space<vmem>>, vector<16xf32>,
        tpu.vector_store %arg9[%swap3A_64], %broadcast_in_dim3A_4 {strides = array<i32>} : memref<20000xf32, #tpu.memory_space<vmem>>, vector<16xf32>,
        %scan3A_66 = arith.constant 6 : i32
        %scan3A_67 = arith.addi %scan3A_31, %scan3A_66 : i32
        %mul3A_68 = arith.constant 16 : i32
        %mul3A_69 = arith.muli %scan3A_67, %mul3A_68 : i32
        %swap3A_70 = arith.index_cast %mul3A_69 : i32 to index
        %swap3A_71 = tpu.vector_load %arg9[%swap3A_70] {strides = array<i32>} : memref<20000xf32, #tpu.memory_space<vmem>>, vector<16xf32>,
        tpu.vector_store %arg9[%swap3A_70], %broadcast_in_dim3A_4 {strides = array<i32>} : memref<20000xf32, #tpu.memory_space<vmem>>, vector<16xf32>,
        %scan3A_72 = arith.constant 7 : i32
        %scan3A_73 = arith.addi %scan3A_31, %scan3A_72 : i32
        %mul3A_74 = arith.constant 16 : i32
        %mul3A_75 = arith.muli %scan3A_73, %mul3A_74 : i32
        %swap3A_76 = arith.index_cast %mul3A_75 : i32 to index
        %swap3A_77 = tpu.vector_load %arg9[%swap3A_76] {strides = array<i32>} : memref<20000xf32, #tpu.memory_space<vmem>>, vector<16xf32>,
        tpu.vector_store %arg9[%swap3A_76], %broadcast_in_dim3A_4 {strides = array<i32>} : memref<20000xf32, #tpu.memory_space<vmem>>, vector<16xf32>,
      }
      %scan3A_9 = arith.constant 1248 : i32
      %scan3A_10 = arith.addi %scan3A_5, %scan3A_9 : i32
      %mul3A = arith.constant 16 : i32
      %mul3A_11 = arith.muli %scan3A_10, %mul3A : i32
      %swap3A = arith.index_cast %mul3A_11 : i32 to index
      %swap3A_12 = tpu.vector_load %arg9[%swap3A] {strides = array<i32>} : memref<20000xf32, #tpu.memory_space<vmem>>, vector<16xf32>,
      tpu.vector_store %arg9[%swap3A], %broadcast_in_dim3A_4 {strides = array<i32>} : memref<20000xf32, #tpu.memory_space<vmem>>, vector<16xf32>,
      %scan3A_13 = arith.constant 1249 : i32
      %scan3A_14 = arith.addi %scan3A_5, %scan3A_13 : i32
      %mul3A_15 = arith.constant 16 : i32
      %mul3A_16 = arith.muli %scan3A_14, %mul3A_15 : i32
      %swap3A_17 = arith.index_cast %mul3A_16 : i32 to index
      %swap3A_18 = tpu.vector_load %arg9[%swap3A_17] {strides = array<i32>} : memref<20000xf32, #tpu.memory_space<vmem>>, vector<16xf32>,
      tpu.vector_store %arg9[%swap3A_17], %broadcast_in_dim3A_4 {strides = array<i32>} : memref<20000xf32, #tpu.memory_space<vmem>>, vector<16xf32>,
      %scan3A_19 = arith.constant 1250 : i32
      %iota3A = tpu.iota {dimensions = array<i32: 0>} : vector<16xi32>
      %shift_right_arithmetic3A = arith.constant 1 : i32
      %shift_right_arithmetic3A_20 = vector.broadcast %shift_right_arithmetic3A : i32 to vector<16xi32>
      %shift_right_arithmetic3A_21 = arith.shrsi %iota3A, %shift_right_arithmetic3A_20 : vector<16xi32>
      %and3A_22 = arith.constant 1 : i32
      %and3A_23 = vector.broadcast %and3A_22 : i32 to vector<16xi32>
      %and3A_24 = arith.andi %iota3A, %and3A_23 : vector<16xi32>
      %scan3A_25 = arith.constant 0 : i32
      %scan3A_26 = arith.constant 0 : i32
      %scan3A_27 = arith.constant 64 : i32
      %scan3A_28 = arith.addi %scan3A_26, %scan3A_27 : i32
      %scan3A_29 = arith.constant 2 : i32
      scf.for %scan3A_31 = %scan3A_26 to %scan3A_28 step %scan3A_29  : i32 {
        %mul3A_32 = arith.constant 16 : i32
        %mul3A_33 = arith.muli %scan3A_31, %mul3A_32 : i32
        %add3A = arith.constant 0 : i32
        %add3A_34 = arith.addi %mul3A_33, %add3A : i32
        %add3A_35 = vector.broadcast %add3A_34 : i32 to vector<16xi32>
        %add3A_36 = arith.addi %add3A_35, %shift_right_arithmetic3A_21 : vector<16xi32>
        %gather3A = tpu.vector_load_idx %arg6[%add3A_36] : memref<1024xi32, #tpu.memory_space<vmem>>[vector<16xi32>], vector<16xi32>,
        %mul3A_37 = arith.constant 2 : i32
        %mul3A_38 = vector.broadcast %mul3A_37 : i32 to vector<16xi32>
        %mul3A_39 = arith.muli %gather3A, %mul3A_38 : vector<16xi32>
        %add3A_40 = arith.addi %mul3A_39, %and3A_24 : vector<16xi32>
        %mul3A_41 = arith.constant 2 : i32
        %mul3A_42 = arith.muli %scan3A_31, %mul3A_41 : i32
        %mul3A_43 = arith.constant 16 : i32
        %mul3A_44 = arith.muli %mul3A_42, %mul3A_43 : i32
        %add3A_45 = arith.constant 0 : i32
        %add3A_46 = arith.addi %mul3A_44, %add3A_45 : i32
        %get3A = arith.index_cast %add3A_46 : i32 to index
        %get3A_47 = tpu.vector_load %arg7[%get3A] {strides = array<i32>} : memref<2048xf32, #tpu.memory_space<vmem>>, vector<16xf32>,
        %mul3A_48 = arith.constant 2 : i32
        %mul3A_49 = arith.muli %scan3A_31, %mul3A_48 : i32
        %mul3A_50 = arith.constant 16 : i32
        %mul3A_51 = arith.muli %mul3A_49, %mul3A_50 : i32
        %add3A_52 = arith.constant 0 : i32
        %add3A_53 = arith.addi %mul3A_51, %add3A_52 : i32
        %get3A_54 = arith.index_cast %add3A_53 : i32 to index
        %get3A_55 = tpu.vector_load %arg8[%get3A_54] {strides = array<i32>} : memref<2048xf32, #tpu.memory_space<vmem>>, vector<16xf32>,
        %add3A_56 = arith.addf %get3A_47, %get3A_55 : vector<16xf32>
        %eq3A_57 = arith.constant 0 : i32
        %eq3A_58 = vector.broadcast %eq3A_57 : i32 to vector<16xi32>
        %eq3A_59 = arith.cmpi eq, %shift_right_arithmetic3A_21, %eq3A_58 : vector<16xi32>
        tpu.vector_store_idx %arg9[%add3A_40], %add3A_56 masked %eq3A_59 : memref<20000xf32, #tpu.memory_space<vmem>>[vector<16xi32>], vector<16xf32>, vector<16xi1>
        %eq3A_60 = arith.constant 1 : i32
        %eq3A_61 = vector.broadcast %eq3A_60 : i32 to vector<16xi32>
        %eq3A_62 = arith.cmpi eq, %shift_right_arithmetic3A_21, %eq3A_61 : vector<16xi32>
        tpu.vector_store_idx %arg9[%add3A_40], %add3A_56 masked %eq3A_62 : memref<20000xf32, #tpu.memory_space<vmem>>[vector<16xi32>], vector<16xf32>, vector<16xi1>
        %eq3A_63 = arith.constant 2 : i32
        %eq3A_64 = vector.broadcast %eq3A_63 : i32 to vector<16xi32>
        %eq3A_65 = arith.cmpi eq, %shift_right_arithmetic3A_21, %eq3A_64 : vector<16xi32>
        tpu.vector_store_idx %arg9[%add3A_40], %add3A_56 masked %eq3A_65 : memref<20000xf32, #tpu.memory_space<vmem>>[vector<16xi32>], vector<16xf32>, vector<16xi1>
        %eq3A_66 = arith.constant 3 : i32
        %eq3A_67 = vector.broadcast %eq3A_66 : i32 to vector<16xi32>
        %eq3A_68 = arith.cmpi eq, %shift_right_arithmetic3A_21, %eq3A_67 : vector<16xi32>
        tpu.vector_store_idx %arg9[%add3A_40], %add3A_56 masked %eq3A_68 : memref<20000xf32, #tpu.memory_space<vmem>>[vector<16xi32>], vector<16xf32>, vector<16xi1>
        %eq3A_69 = arith.constant 4 : i32
        %eq3A_70 = vector.broadcast %eq3A_69 : i32 to vector<16xi32>
        %eq3A_71 = arith.cmpi eq, %shift_right_arithmetic3A_21, %eq3A_70 : vector<16xi32>
        tpu.vector_store_idx %arg9[%add3A_40], %add3A_56 masked %eq3A_71 : memref<20000xf32, #tpu.memory_space<vmem>>[vector<16xi32>], vector<16xf32>, vector<16xi1>
        %eq3A_72 = arith.constant 5 : i32
        %eq3A_73 = vector.broadcast %eq3A_72 : i32 to vector<16xi32>
        %eq3A_74 = arith.cmpi eq, %shift_right_arithmetic3A_21, %eq3A_73 : vector<16xi32>
        tpu.vector_store_idx %arg9[%add3A_40], %add3A_56 masked %eq3A_74 : memref<20000xf32, #tpu.memory_space<vmem>>[vector<16xi32>], vector<16xf32>, vector<16xi1>
        %eq3A_75 = arith.constant 6 : i32
        %eq3A_76 = vector.broadcast %eq3A_75 : i32 to vector<16xi32>
        %eq3A_77 = arith.cmpi eq, %shift_right_arithmetic3A_21, %eq3A_76 : vector<16xi32>
        tpu.vector_store_idx %arg9[%add3A_40], %add3A_56 masked %eq3A_77 : memref<20000xf32, #tpu.memory_space<vmem>>[vector<16xi32>], vector<16xf32>, vector<16xi1>
        %eq3A_78 = arith.constant 7 : i32
        %eq3A_79 = vector.broadcast %eq3A_78 : i32 to vector<16xi32>
        %eq3A_80 = arith.cmpi eq, %shift_right_arithmetic3A_21, %eq3A_79 : vector<16xi32>
        tpu.vector_store_idx %arg9[%add3A_40], %add3A_56 masked %eq3A_80 : memref<20000xf32, #tpu.memory_space<vmem>>[vector<16xi32>], vector<16xf32>, vector<16xi1>
        %mul3A_81 = arith.constant 16 : i32
        %mul3A_82 = arith.muli %scan3A_31, %mul3A_81 : i32
        %add3A_83 = arith.constant 8 : i32
        %add3A_84 = arith.addi %mul3A_82, %add3A_83 : i32
        %add3A_85 = vector.broadcast %add3A_84 : i32 to vector<16xi32>
        %add3A_86 = arith.addi %add3A_85, %shift_right_arithmetic3A_21 : vector<16xi32>
        %gather3A_87 = tpu.vector_load_idx %arg6[%add3A_86] : memref<1024xi32, #tpu.memory_space<vmem>>[vector<16xi32>], vector<16xi32>,
        %mul3A_88 = arith.constant 2 : i32
        %mul3A_89 = vector.broadcast %mul3A_88 : i32 to vector<16xi32>
        %mul3A_90 = arith.muli %gather3A_87, %mul3A_89 : vector<16xi32>
        %add3A_91 = arith.addi %mul3A_90, %and3A_24 : vector<16xi32>
        %mul3A_92 = arith.constant 2 : i32
        %mul3A_93 = arith.muli %scan3A_31, %mul3A_92 : i32
        %mul3A_94 = arith.constant 16 : i32
        %mul3A_95 = arith.muli %mul3A_93, %mul3A_94 : i32
        %add3A_96 = arith.constant 16 : i32
        %add3A_97 = arith.addi %mul3A_95, %add3A_96 : i32
        %get3A_98 = arith.index_cast %add3A_97 : i32 to index
        %get3A_99 = tpu.vector_load %arg7[%get3A_98] {strides = array<i32>} : memref<2048xf32, #tpu.memory_space<vmem>>, vector<16xf32>,
        %mul3A_100 = arith.constant 2 : i32
        %mul3A_101 = arith.muli %scan3A_31, %mul3A_100 : i32
        %mul3A_102 = arith.constant 16 : i32
        %mul3A_103 = arith.muli %mul3A_101, %mul3A_102 : i32
        %add3A_104 = arith.constant 16 : i32
        %add3A_105 = arith.addi %mul3A_103, %add3A_104 : i32
        %get3A_106 = arith.index_cast %add3A_105 : i32 to index
        %get3A_107 = tpu.vector_load %arg8[%get3A_106] {strides = array<i32>} : memref<2048xf32, #tpu.memory_space<vmem>>, vector<16xf32>,
        %add3A_108 = arith.addf %get3A_99, %get3A_107 : vector<16xf32>
        %eq3A_109 = arith.constant 0 : i32
        %eq3A_110 = vector.broadcast %eq3A_109 : i32 to vector<16xi32>
        %eq3A_111 = arith.cmpi eq, %shift_right_arithmetic3A_21, %eq3A_110 : vector<16xi32>
        tpu.vector_store_idx %arg9[%add3A_91], %add3A_108 masked %eq3A_111 : memref<20000xf32, #tpu.memory_space<vmem>>[vector<16xi32>], vector<16xf32>, vector<16xi1>
        %eq3A_112 = arith.constant 1 : i32
        %eq3A_113 = vector.broadcast %eq3A_112 : i32 to vector<16xi32>
        %eq3A_114 = arith.cmpi eq, %shift_right_arithmetic3A_21, %eq3A_113 : vector<16xi32>
        tpu.vector_store_idx %arg9[%add3A_91], %add3A_108 masked %eq3A_114 : memref<20000xf32, #tpu.memory_space<vmem>>[vector<16xi32>], vector<16xf32>, vector<16xi1>
        %eq3A_115 = arith.constant 2 : i32
        %eq3A_116 = vector.broadcast %eq3A_115 : i32 to vector<16xi32>
        %eq3A_117 = arith.cmpi eq, %shift_right_arithmetic3A_21, %eq3A_116 : vector<16xi32>
        tpu.vector_store_idx %arg9[%add3A_91], %add3A_108 masked %eq3A_117 : memref<20000xf32, #tpu.memory_space<vmem>>[vector<16xi32>], vector<16xf32>, vector<16xi1>
        %eq3A_118 = arith.constant 3 : i32
        %eq3A_119 = vector.broadcast %eq3A_118 : i32 to vector<16xi32>
        %eq3A_120 = arith.cmpi eq, %shift_right_arithmetic3A_21, %eq3A_119 : vector<16xi32>
        tpu.vector_store_idx %arg9[%add3A_91], %add3A_108 masked %eq3A_120 : memref<20000xf32, #tpu.memory_space<vmem>>[vector<16xi32>], vector<16xf32>, vector<16xi1>
        %eq3A_121 = arith.constant 4 : i32
        %eq3A_122 = vector.broadcast %eq3A_121 : i32 to vector<16xi32>
        %eq3A_123 = arith.cmpi eq, %shift_right_arithmetic3A_21, %eq3A_122 : vector<16xi32>
        tpu.vector_store_idx %arg9[%add3A_91], %add3A_108 masked %eq3A_123 : memref<20000xf32, #tpu.memory_space<vmem>>[vector<16xi32>], vector<16xf32>, vector<16xi1>
        %eq3A_124 = arith.constant 5 : i32
        %eq3A_125 = vector.broadcast %eq3A_124 : i32 to vector<16xi32>
        %eq3A_126 = arith.cmpi eq, %shift_right_arithmetic3A_21, %eq3A_125 : vector<16xi32>
        tpu.vector_store_idx %arg9[%add3A_91], %add3A_108 masked %eq3A_126 : memref<20000xf32, #tpu.memory_space<vmem>>[vector<16xi32>], vector<16xf32>, vector<16xi1>
        %eq3A_127 = arith.constant 6 : i32
        %eq3A_128 = vector.broadcast %eq3A_127 : i32 to vector<16xi32>
        %eq3A_129 = arith.cmpi eq, %shift_right_arithmetic3A_21, %eq3A_128 : vector<16xi32>
        tpu.vector_store_idx %arg9[%add3A_91], %add3A_108 masked %eq3A_129 : memref<20000xf32, #tpu.memory_space<vmem>>[vector<16xi32>], vector<16xf32>, vector<16xi1>
        %eq3A_130 = arith.constant 7 : i32
        %eq3A_131 = vector.broadcast %eq3A_130 : i32 to vector<16xi32>
        %eq3A_132 = arith.cmpi eq, %shift_right_arithmetic3A_21, %eq3A_131 : vector<16xi32>
        tpu.vector_store_idx %arg9[%add3A_91], %add3A_108 masked %eq3A_132 : memref<20000xf32, #tpu.memory_space<vmem>>[vector<16xi32>], vector<16xf32>, vector<16xi1>
        %scan3A_133 = arith.constant 1 : i32
        %scan3A_134 = arith.addi %scan3A_31, %scan3A_133 : i32
        %mul3A_135 = arith.constant 16 : i32
        %mul3A_136 = arith.muli %scan3A_134, %mul3A_135 : i32
        %add3A_137 = arith.constant 0 : i32
        %add3A_138 = arith.addi %mul3A_136, %add3A_137 : i32
        %add3A_139 = vector.broadcast %add3A_138 : i32 to vector<16xi32>
        %add3A_140 = arith.addi %add3A_139, %shift_right_arithmetic3A_21 : vector<16xi32>
        %gather3A_141 = tpu.vector_load_idx %arg6[%add3A_140] : memref<1024xi32, #tpu.memory_space<vmem>>[vector<16xi32>], vector<16xi32>,
        %mul3A_142 = arith.constant 2 : i32
        %mul3A_143 = vector.broadcast %mul3A_142 : i32 to vector<16xi32>
        %mul3A_144 = arith.muli %gather3A_141, %mul3A_143 : vector<16xi32>
        %add3A_145 = arith.addi %mul3A_144, %and3A_24 : vector<16xi32>
        %mul3A_146 = arith.constant 2 : i32
        %mul3A_147 = arith.muli %scan3A_134, %mul3A_146 : i32
        %mul3A_148 = arith.constant 16 : i32
        %mul3A_149 = arith.muli %mul3A_147, %mul3A_148 : i32
        %add3A_150 = arith.constant 0 : i32
        %add3A_151 = arith.addi %mul3A_149, %add3A_150 : i32
        %get3A_152 = arith.index_cast %add3A_151 : i32 to index
        %get3A_153 = tpu.vector_load %arg7[%get3A_152] {strides = array<i32>} : memref<2048xf32, #tpu.memory_space<vmem>>, vector<16xf32>,
        %mul3A_154 = arith.constant 2 : i32
        %mul3A_155 = arith.muli %scan3A_134, %mul3A_154 : i32
        %mul3A_156 = arith.constant 16 : i32
        %mul3A_157 = arith.muli %mul3A_155, %mul3A_156 : i32
        %add3A_158 = arith.constant 0 : i32
        %add3A_159 = arith.addi %mul3A_157, %add3A_158 : i32
        %get3A_160 = arith.index_cast %add3A_159 : i32 to index
        %get3A_161 = tpu.vector_load %arg8[%get3A_160] {strides = array<i32>} : memref<2048xf32, #tpu.memory_space<vmem>>, vector<16xf32>,
        %add3A_162 = arith.addf %get3A_153, %get3A_161 : vector<16xf32>
        %eq3A_163 = arith.constant 0 : i32
        %eq3A_164 = vector.broadcast %eq3A_163 : i32 to vector<16xi32>
        %eq3A_165 = arith.cmpi eq, %shift_right_arithmetic3A_21, %eq3A_164 : vector<16xi32>
        tpu.vector_store_idx %arg9[%add3A_145], %add3A_162 masked %eq3A_165 : memref<20000xf32, #tpu.memory_space<vmem>>[vector<16xi32>], vector<16xf32>, vector<16xi1>
        %eq3A_166 = arith.constant 1 : i32
        %eq3A_167 = vector.broadcast %eq3A_166 : i32 to vector<16xi32>
        %eq3A_168 = arith.cmpi eq, %shift_right_arithmetic3A_21, %eq3A_167 : vector<16xi32>
        tpu.vector_store_idx %arg9[%add3A_145], %add3A_162 masked %eq3A_168 : memref<20000xf32, #tpu.memory_space<vmem>>[vector<16xi32>], vector<16xf32>, vector<16xi1>
        %eq3A_169 = arith.constant 2 : i32
        %eq3A_170 = vector.broadcast %eq3A_169 : i32 to vector<16xi32>
        %eq3A_171 = arith.cmpi eq, %shift_right_arithmetic3A_21, %eq3A_170 : vector<16xi32>
        tpu.vector_store_idx %arg9[%add3A_145], %add3A_162 masked %eq3A_171 : memref<20000xf32, #tpu.memory_space<vmem>>[vector<16xi32>], vector<16xf32>, vector<16xi1>
        %eq3A_172 = arith.constant 3 : i32
        %eq3A_173 = vector.broadcast %eq3A_172 : i32 to vector<16xi32>
        %eq3A_174 = arith.cmpi eq, %shift_right_arithmetic3A_21, %eq3A_173 : vector<16xi32>
        tpu.vector_store_idx %arg9[%add3A_145], %add3A_162 masked %eq3A_174 : memref<20000xf32, #tpu.memory_space<vmem>>[vector<16xi32>], vector<16xf32>, vector<16xi1>
        %eq3A_175 = arith.constant 4 : i32
        %eq3A_176 = vector.broadcast %eq3A_175 : i32 to vector<16xi32>
        %eq3A_177 = arith.cmpi eq, %shift_right_arithmetic3A_21, %eq3A_176 : vector<16xi32>
        tpu.vector_store_idx %arg9[%add3A_145], %add3A_162 masked %eq3A_177 : memref<20000xf32, #tpu.memory_space<vmem>>[vector<16xi32>], vector<16xf32>, vector<16xi1>
        %eq3A_178 = arith.constant 5 : i32
        %eq3A_179 = vector.broadcast %eq3A_178 : i32 to vector<16xi32>
        %eq3A_180 = arith.cmpi eq, %shift_right_arithmetic3A_21, %eq3A_179 : vector<16xi32>
        tpu.vector_store_idx %arg9[%add3A_145], %add3A_162 masked %eq3A_180 : memref<20000xf32, #tpu.memory_space<vmem>>[vector<16xi32>], vector<16xf32>, vector<16xi1>
        %eq3A_181 = arith.constant 6 : i32
        %eq3A_182 = vector.broadcast %eq3A_181 : i32 to vector<16xi32>
        %eq3A_183 = arith.cmpi eq, %shift_right_arithmetic3A_21, %eq3A_182 : vector<16xi32>
        tpu.vector_store_idx %arg9[%add3A_145], %add3A_162 masked %eq3A_183 : memref<20000xf32, #tpu.memory_space<vmem>>[vector<16xi32>], vector<16xf32>, vector<16xi1>
        %eq3A_184 = arith.constant 7 : i32
        %eq3A_185 = vector.broadcast %eq3A_184 : i32 to vector<16xi32>
        %eq3A_186 = arith.cmpi eq, %shift_right_arithmetic3A_21, %eq3A_185 : vector<16xi32>
        tpu.vector_store_idx %arg9[%add3A_145], %add3A_162 masked %eq3A_186 : memref<20000xf32, #tpu.memory_space<vmem>>[vector<16xi32>], vector<16xf32>, vector<16xi1>
        %mul3A_187 = arith.constant 16 : i32
        %mul3A_188 = arith.muli %scan3A_134, %mul3A_187 : i32
        %add3A_189 = arith.constant 8 : i32
        %add3A_190 = arith.addi %mul3A_188, %add3A_189 : i32
        %add3A_191 = vector.broadcast %add3A_190 : i32 to vector<16xi32>
        %add3A_192 = arith.addi %add3A_191, %shift_right_arithmetic3A_21 : vector<16xi32>
        %gather3A_193 = tpu.vector_load_idx %arg6[%add3A_192] : memref<1024xi32, #tpu.memory_space<vmem>>[vector<16xi32>], vector<16xi32>,
        %mul3A_194 = arith.constant 2 : i32
        %mul3A_195 = vector.broadcast %mul3A_194 : i32 to vector<16xi32>
        %mul3A_196 = arith.muli %gather3A_193, %mul3A_195 : vector<16xi32>
        %add3A_197 = arith.addi %mul3A_196, %and3A_24 : vector<16xi32>
        %mul3A_198 = arith.constant 2 : i32
        %mul3A_199 = arith.muli %scan3A_134, %mul3A_198 : i32
        %mul3A_200 = arith.constant 16 : i32
        %mul3A_201 = arith.muli %mul3A_199, %mul3A_200 : i32
        %add3A_202 = arith.constant 16 : i32
        %add3A_203 = arith.addi %mul3A_201, %add3A_202 : i32
        %get3A_204 = arith.index_cast %add3A_203 : i32 to index
        %get3A_205 = tpu.vector_load %arg7[%get3A_204] {strides = array<i32>} : memref<2048xf32, #tpu.memory_space<vmem>>, vector<16xf32>,
        %mul3A_206 = arith.constant 2 : i32
        %mul3A_207 = arith.muli %scan3A_134, %mul3A_206 : i32
        %mul3A_208 = arith.constant 16 : i32
        %mul3A_209 = arith.muli %mul3A_207, %mul3A_208 : i32
        %add3A_210 = arith.constant 16 : i32
        %add3A_211 = arith.addi %mul3A_209, %add3A_210 : i32
        %get3A_212 = arith.index_cast %add3A_211 : i32 to index
        %get3A_213 = tpu.vector_load %arg8[%get3A_212] {strides = array<i32>} : memref<2048xf32, #tpu.memory_space<vmem>>, vector<16xf32>,
        %add3A_214 = arith.addf %get3A_205, %get3A_213 : vector<16xf32>
        %eq3A_215 = arith.constant 0 : i32
        %eq3A_216 = vector.broadcast %eq3A_215 : i32 to vector<16xi32>
        %eq3A_217 = arith.cmpi eq, %shift_right_arithmetic3A_21, %eq3A_216 : vector<16xi32>
        tpu.vector_store_idx %arg9[%add3A_197], %add3A_214 masked %eq3A_217 : memref<20000xf32, #tpu.memory_space<vmem>>[vector<16xi32>], vector<16xf32>, vector<16xi1>
        %eq3A_218 = arith.constant 1 : i32
        %eq3A_219 = vector.broadcast %eq3A_218 : i32 to vector<16xi32>
        %eq3A_220 = arith.cmpi eq, %shift_right_arithmetic3A_21, %eq3A_219 : vector<16xi32>
        tpu.vector_store_idx %arg9[%add3A_197], %add3A_214 masked %eq3A_220 : memref<20000xf32, #tpu.memory_space<vmem>>[vector<16xi32>], vector<16xf32>, vector<16xi1>
        %eq3A_221 = arith.constant 2 : i32
        %eq3A_222 = vector.broadcast %eq3A_221 : i32 to vector<16xi32>
        %eq3A_223 = arith.cmpi eq, %shift_right_arithmetic3A_21, %eq3A_222 : vector<16xi32>
        tpu.vector_store_idx %arg9[%add3A_197], %add3A_214 masked %eq3A_223 : memref<20000xf32, #tpu.memory_space<vmem>>[vector<16xi32>], vector<16xf32>, vector<16xi1>
        %eq3A_224 = arith.constant 3 : i32
        %eq3A_225 = vector.broadcast %eq3A_224 : i32 to vector<16xi32>
        %eq3A_226 = arith.cmpi eq, %shift_right_arithmetic3A_21, %eq3A_225 : vector<16xi32>
        tpu.vector_store_idx %arg9[%add3A_197], %add3A_214 masked %eq3A_226 : memref<20000xf32, #tpu.memory_space<vmem>>[vector<16xi32>], vector<16xf32>, vector<16xi1>
        %eq3A_227 = arith.constant 4 : i32
        %eq3A_228 = vector.broadcast %eq3A_227 : i32 to vector<16xi32>
        %eq3A_229 = arith.cmpi eq, %shift_right_arithmetic3A_21, %eq3A_228 : vector<16xi32>
        tpu.vector_store_idx %arg9[%add3A_197], %add3A_214 masked %eq3A_229 : memref<20000xf32, #tpu.memory_space<vmem>>[vector<16xi32>], vector<16xf32>, vector<16xi1>
        %eq3A_230 = arith.constant 5 : i32
        %eq3A_231 = vector.broadcast %eq3A_230 : i32 to vector<16xi32>
        %eq3A_232 = arith.cmpi eq, %shift_right_arithmetic3A_21, %eq3A_231 : vector<16xi32>
        tpu.vector_store_idx %arg9[%add3A_197], %add3A_214 masked %eq3A_232 : memref<20000xf32, #tpu.memory_space<vmem>>[vector<16xi32>], vector<16xf32>, vector<16xi1>
        %eq3A_233 = arith.constant 6 : i32
        %eq3A_234 = vector.broadcast %eq3A_233 : i32 to vector<16xi32>
        %eq3A_235 = arith.cmpi eq, %shift_right_arithmetic3A_21, %eq3A_234 : vector<16xi32>
        tpu.vector_store_idx %arg9[%add3A_197], %add3A_214 masked %eq3A_235 : memref<20000xf32, #tpu.memory_space<vmem>>[vector<16xi32>], vector<16xf32>, vector<16xi1>
        %eq3A_236 = arith.constant 7 : i32
        %eq3A_237 = vector.broadcast %eq3A_236 : i32 to vector<16xi32>
        %eq3A_238 = arith.cmpi eq, %shift_right_arithmetic3A_21, %eq3A_237 : vector<16xi32>
        tpu.vector_store_idx %arg9[%add3A_197], %add3A_214 masked %eq3A_238 : memref<20000xf32, #tpu.memory_space<vmem>>[vector<16xi32>], vector<16xf32>, vector<16xi1>
      }
      %scan3A_30 = arith.constant 64 : i32
      "tpu.region"() ({
        %run_scoped3A = tpu.sem_alloc : memref<!tpu.dma_semaphore, #tpu.memory_space<semaphore_mem>>
        tpu.enqueue_dma source(%arg9 : memref<20000xf32, #tpu.memory_space<vmem>>) target(%arg5 : memref<20000xf32, #tpu.memory_space<hbm>>) target_semaphore(%run_scoped3A : memref<!tpu.dma_semaphore, #tpu.memory_space<semaphore_mem>>)
        tpu.wait_dma2 semaphore(%run_scoped3A : memref<!tpu.dma_semaphore, #tpu.memory_space<semaphore_mem>>) src(%arg9 : memref<20000xf32, #tpu.memory_space<vmem>>) dst(%arg5 : memref<20000xf32, #tpu.memory_space<hbm>>)
        tpu.yield
      }) : () -> ()
    } else {
    }
    return
  }
}

module attributes {stable_mosaic.version = 14 : i64} {
  func.func @_tc_body(%arg0: i32, %arg1: i32, %arg2: memref<256x2xf32, #tpu.memory_space<vmem>>, %arg3: memref<2x2048xf32, #tpu.memory_space<vmem>>, %arg4: memref<256x2xf32, #tpu.memory_space<vmem>>) attributes {dimension_semantics = [#tpu.dimension_semantics<parallel>, #tpu.dimension_semantics<arbitrary>], iteration_bounds = array<i64: 4, 5>, scalar_prefetch = 0 : i64, scratch_operands = 0 : i64, tpu.core_type = #tpu.core_type<tc>, window_params = [{transform_indices = @transform_0, window_bounds = array<i64: 256, 2>}, {transform_indices = @transform_1, window_bounds = array<i64: 2, 2048>}, {transform_indices = @transform_2, window_bounds = array<i64: 256, 2>}]} {
    %get3A = arith.constant 0 : index
    %get3A_0 = arith.constant 0 : index
    %get3A_1 = vector.load %arg2[%get3A, %get3A_0] : memref<256x2xf32, #tpu.memory_space<vmem>>, vector<256x2xf32>
    %slice3A = vector.extract_strided_slice %get3A_1 {offsets = [0, 0], sizes = [256, 1], strides = [1, 1]} : vector<256x2xf32> to vector<256x1xf32>
    %slice3A_2 = vector.extract_strided_slice %get3A_1 {offsets = [0, 1], sizes = [256, 1], strides = [1, 1]} : vector<256x2xf32> to vector<256x1xf32>
    %get3A_3 = arith.constant 0 : index
    %get3A_4 = arith.constant 0 : index
    %get3A_5 = vector.load %arg3[%get3A_3, %get3A_4] : memref<2x2048xf32, #tpu.memory_space<vmem>>, vector<2x2048xf32>
    %slice3A_6 = vector.extract_strided_slice %get3A_5 {offsets = [0, 0], sizes = [1, 2048], strides = [1, 1]} : vector<2x2048xf32> to vector<1x2048xf32>
    %sub3A = vector.broadcast %slice3A : vector<256x1xf32> to vector<256x2048xf32>
    %sub3A_7 = vector.broadcast %slice3A_6 : vector<1x2048xf32> to vector<256x2048xf32>
    %sub3A_8 = arith.subf %sub3A, %sub3A_7 : vector<256x2048xf32>
    %slice3A_9 = vector.extract_strided_slice %get3A_5 {offsets = [1, 0], sizes = [1, 2048], strides = [1, 1]} : vector<2x2048xf32> to vector<1x2048xf32>
    %sub3A_10 = vector.broadcast %slice3A_2 : vector<256x1xf32> to vector<256x2048xf32>
    %sub3A_11 = vector.broadcast %slice3A_9 : vector<1x2048xf32> to vector<256x2048xf32>
    %sub3A_12 = arith.subf %sub3A_10, %sub3A_11 : vector<256x2048xf32>
    %mul3A = arith.mulf %sub3A_8, %sub3A_8 : vector<256x2048xf32>
    %mul3A_13 = arith.mulf %sub3A_12, %sub3A_12 : vector<256x2048xf32>
    %add3A = arith.addf %mul3A, %mul3A_13 : vector<256x2048xf32>
    %max3A = arith.constant 9.99999974E-5 : f32
    %max3A_14 = vector.broadcast %max3A : f32 to vector<256x2048xf32>
    %max3A_15 = arith.maximumf %add3A, %max3A_14 : vector<256x2048xf32>
    %reciprocal3A = tpu.reciprocal %max3A_15 {approx = true} : vector<256x2048xf32> -> vector<256x2048xf32>
    %mul3A_16 = arith.mulf %sub3A_8, %reciprocal3A : vector<256x2048xf32>
    %reduce_sum3A = arith.constant dense<0.000000e+00> : vector<256xf32>
    %reduce_sum3A_17 = vector.multi_reduction <add>, %mul3A_16, %reduce_sum3A [1] : vector<256x2048xf32> to vector<256xf32>
    %broadcast_in_dim3A = vector.shape_cast %reduce_sum3A_17 : vector<256xf32> to vector<256x1xf32>
    %mul3A_18 = arith.mulf %sub3A_12, %reciprocal3A : vector<256x2048xf32>
    %reduce_sum3A_19 = arith.constant dense<0.000000e+00> : vector<256xf32>
    %reduce_sum3A_20 = vector.multi_reduction <add>, %mul3A_18, %reduce_sum3A_19 [1] : vector<256x2048xf32> to vector<256xf32>
    %broadcast_in_dim3A_21 = vector.shape_cast %reduce_sum3A_20 : vector<256xf32> to vector<256x1xf32>
    %concatenate3A = tpu.concatenate %broadcast_in_dim3A, %broadcast_in_dim3A_21 in 1 : vector<256x1xf32>, vector<256x1xf32> -> vector<256x2xf32>
    %mul3A_22 = arith.constant 9.99999974E-5 : f32
    %mul3A_23 = vector.broadcast %mul3A_22 : f32 to vector<256x2xf32>
    %mul3A_24 = arith.mulf %mul3A_23, %concatenate3A : vector<256x2xf32>
    %eq3A = arith.constant 0 : i32
    %eq3A_25 = arith.cmpi eq, %arg1, %eq3A : i32
    %convert_element_type3A = arith.extui %eq3A_25 : i1 to i32
    %cond3A = arith.constant 0 : i32
    %cond3A_26 = arith.cmpi ne, %convert_element_type3A, %cond3A : i32
    scf.if %cond3A_26 {
      %swap3A = arith.constant 0 : index
      %swap3A_31 = arith.constant 0 : index
      %swap3A_32 = vector.load %arg4[%swap3A, %swap3A_31] : memref<256x2xf32, #tpu.memory_space<vmem>>, vector<256x2xf32>
      tpu.vector_store %arg4[%swap3A, %swap3A_31], %mul3A_24 {strides = array<i32>} : memref<256x2xf32, #tpu.memory_space<vmem>>, vector<256x2xf32>,
    } else {
    }
    %gt3A = arith.constant 0 : i32
    %gt3A_27 = arith.cmpi sgt, %arg1, %gt3A : i32
    %convert_element_type3A_28 = arith.extui %gt3A_27 : i1 to i32
    %cond3A_29 = arith.constant 0 : i32
    %cond3A_30 = arith.cmpi ne, %convert_element_type3A_28, %cond3A_29 : i32
    scf.if %cond3A_30 {
      %get3A_31 = arith.constant 0 : index
      %get3A_32 = arith.constant 0 : index
      %get3A_33 = vector.load %arg4[%get3A_31, %get3A_32] : memref<256x2xf32, #tpu.memory_space<vmem>>, vector<256x2xf32>
      %add3A_34 = arith.addf %get3A_33, %mul3A_24 : vector<256x2xf32>
      %swap3A = arith.constant 0 : index
      %swap3A_35 = arith.constant 0 : index
      %swap3A_36 = vector.load %arg4[%swap3A, %swap3A_35] : memref<256x2xf32, #tpu.memory_space<vmem>>, vector<256x2xf32>
      tpu.vector_store %arg4[%swap3A, %swap3A_35], %add3A_34 {strides = array<i32>} : memref<256x2xf32, #tpu.memory_space<vmem>>, vector<256x2xf32>,
    } else {
    }
    return
  }
  func.func @transform_0(%arg0: i32, %arg1: i32) -> (i32, i32) {
    %c0_i32 = arith.constant 0 : i32
    %c0_i32_0 = arith.constant 0 : i32
    return %arg0, %c0_i32 : i32, i32
  }
  func.func @transform_1(%arg0: i32, %arg1: i32) -> (i32, i32) {
    %c0_i32 = arith.constant 0 : i32
    %c0_i32_0 = arith.constant 0 : i32
    return %c0_i32, %arg1 : i32, i32
  }
  func.func @transform_2(%arg0: i32, %arg1: i32) -> (i32, i32) {
    %c0_i32 = arith.constant 0 : i32
    %c0_i32_0 = arith.constant 0 : i32
    return %arg0, %c0_i32 : i32, i32
  }
}

</mosaic_0001>

<sc_bundles>
// kernel: kernel.5.cloned.1.call-start
scs
__scs_entry_jumppad:
0x0: {  	(pc) =	sbr.rel $0x88, $3  }
0x1: {  	(tag) =	ssettag $0x0;
	lr =	simm.s32 $0x1  }
0x2: {  	[smem:$0x3F9D] =	sst lr;
	_ =	strace $0xD0000000  }
0x3: {  	_ = 	snop  }
0x4: {  	_ = 	snop  }
0x5: {  	_ = 	snop  }
0x6: {  	_ = 	snop  }
0x7: {  	_ = 	snop  }
__scs_overlays_trampoline_lowered:
0x8: {  	[smem:$0x3FAC] =	sst s0  }
0x9: {  	[smem:$0x3FAD] =	sst s1  }
0xa: {  	[smem:$0x3FAE] =	sst s2  }
0xb: {  	[smem:$0x3FAF] =	sst s3  }
0xc: {  	[smem:$0x3FB0] =	sst s4  }
0xd: {  	[smem:$0x3FB1] =	sst s5  }
0xe: {  	[smem:$0x3FB2] =	sst s6  }
0xf: {  	[smem:$0x3FB3] =	sst s7  }
0x10: {  	[smem:$0x3FB4] =	sst s8  }
0x11: {  	[smem:$0x3FB5] =	sst s9;
	s0 =	simm.s32 @!p0 $0x0  }
0x12: {  	s1 =	sld [smem:$0x3F9B];
	s0 =	simm.s32 @p0 $0x1  }
0x13: {  	[smem:$0x3FB6] =	sst s0;
	s0 =	simm.s32 @!p1 $0x0  }
0x14: {  	s2 =	sld [smem:$0x3F9A];
	s0 =	simm.s32 @p1 $0x1  }
0x15: {  	[smem:$0x3FB7] =	sst s0;
	s0 =	simm.s32 @!p2 $0x0  }
0x16: {  	s3 =	sld [smem:$0x3FDB];
	s0 =	simm.s32 @p2 $0x1  }
0x17: {  	s4 =	simm.s32 $0x1BF5;
	[smem:$0x3FB9] =	sst s0  }
0x18: {  	s0 =	sld [smem:$0x3F9C];
	_ =	swait.ge [sflag:s4], $0x0  }
0x19: {  	s7 =	sld [smem:$0x3F9D]  }
0x1a: {  	s8 =	sadd.s32 $0xFFFFE003, lr  }
0x1b: {  	s9 =	sadd.s32 $0xFFFFFEF7, lr;
	s5 =	simm.s32 $0xFFFFFFFF;
	p2 =	slt.u32 s8, $0xFFFFF086  }
0x1c: {  	p1 =	slt.u32 s9, $0xF7A;
	s5 =	simm.s32 @!p2 $0x0  }
0x1d: {  	s5 =	simm.s32 @p1 $0x1;
	p0 =	seq.s32 s7, s2  }
0x1e: {  	s7 =	smul.u32 @!p0 $0xF7A, s2;
	p2 =	seq.s32 @!p0 s5, $0x0  }
0x1f: {  	s9 =	smul.u32 $0xF7A, s1;
	s8 =	simm.s32 @!p0 $0x1BF5;
	p2 =	por !p2, p0  }
0x20: {  	[sflag:s8] =	ssyncset.s32 @!p0 $0xFFFFF086;
	s6 =	sadd.s32 @!p0 s3, s7;
	s7 =	simm.s32 @!p0 $0x108  }
0x21: {  	s3 =	sadd.s32 s3, s9;
	s6 =	sadd.s32 @!p0 $0x88, s6;
	s7 =	simm.s32 @p2 $0x1082  }
0x22: {  	[simem:s7], [sflag:s8] =	dma.local @!p0 [hbm:s6], $0xF7A  }
0x23: {  	s9 =	sor.u32 $0xD0000000, s2;
	s6 =	simm.s32 $0x108;
	_ =	swait.ge @!p0 [sflag:s8], $0x0  }
0x24: {  	s3 =	sadd.s32 $0x88, s3;
	s6 =	simm.s32 @!p1 $0x1082;
	[sflag:s4] =	ssyncset.s32 $0xFFFFF086  }
0x25: {  	[simem:s6], [sflag:s4] =	dma.local [hbm:s3], $0xF7A  }
0x26: {  	[smem:$0x3F9D] =	sst s1;
	(tag) =	ssettag s2;
	_ =	strace s9  }
0x27: {  	s1 =	sld [smem:$0x3FAD]  }
0x28: {  	s2 =	sld [smem:$0x3FAE]  }
0x29: {  	s4 =	sld [smem:$0x3FB0]  }
0x2a: {  	p0 =	seq.s32 s5, $0x0;
	s5 =	sld [smem:$0x3FB1]  }
0x2b: {  	s6 =	sld [smem:$0x3FB2]  }
0x2c: {  	s7 =	sld [smem:$0x3FB3]  }
0x2d: {  	s3 =	simm.s32 $0x108;
	s8 =	sld [smem:$0x3FB4]  }
0x2e: {  	s3 =	simm.s32 @!p0 $0x1082;
	s9 =	sld [smem:$0x3FB5]  }
0x2f: {  	lr =	sadd.s32 s0, s3;
	s0 =	sld [smem:$0x3FAC]  }
0x30: {  	s3 =	sld [smem:$0x3FAF]  }
0x31: {  	[smem:$0x3FB8] =	sst s10  }
0x32: {  	s10 =	sld [smem:$0x3FB6];
	_ =	sdelay $0x3  }
0x33: {  	p0 =	seq.s32 s10, $0x1;
	s10 =	sld [smem:$0x3FB8];
	_ =	sdelay $0x3  }
0x34: {  	[smem:$0x3FB8] =	sst s10  }
0x35: {  	s10 =	sld [smem:$0x3FB7];
	_ =	sdelay $0x3  }
0x36: {  	p1 =	seq.s32 s10, $0x1;
	s10 =	sld [smem:$0x3FB8];
	_ =	sdelay $0x3  }
0x37: {  	[smem:$0x3FB8] =	sst s10  }
0x38: {  	s10 =	sld [smem:$0x3FB9]  }
0x39: {  	_ = 	snop;
	(pc) =	sbr.ind lr, $3  }
0x3a: {  	_ = 	snop  }
0x3b: {  	_ = 	snop  }
0x3c: {  	p2 =	seq.s32 s10, $0x1;
	s10 =	sld [smem:$0x3FB8]  }
0x3d: {  	_ =	shalt  }
0x3e: {  	_ =	shalt  }
0x3f: {  	_ =	shalt  }
0x40: {  	_ =	shalt  }
0x41: {  	_ =	shalt  }
0x42: {  	_ =	shalt  }
0x43: {  	_ =	shalt  }
0x44: {  	_ =	shalt  }
0x45: {  	_ =	shalt  }
0x46: {  	_ =	shalt  }
0x47: {  	_ =	shalt  }
0x48: {  	_ =	shalt  }
0x49: {  	_ =	shalt  }
0x4a: {  	_ =	shalt  }
0x4b: {  	_ =	shalt  }
0x4c: {  	_ =	shalt  }
0x4d: {  	_ =	shalt  }
0x4e: {  	_ =	shalt  }
0x4f: {  	_ =	shalt  }
0x50: {  	_ =	shalt  }
0x51: {  	_ =	shalt  }
0x52: {  	_ =	shalt  }
0x53: {  	_ =	shalt  }
0x54: {  	_ =	shalt  }
0x55: {  	_ =	shalt  }
0x56: {  	_ =	shalt  }
0x57: {  	_ =	shalt  }
0x58: {  	_ =	shalt  }
0x59: {  	_ =	shalt  }
0x5a: {  	_ =	shalt  }
0x5b: {  	_ =	shalt  }
0x5c: {  	_ =	shalt  }
0x5d: {  	_ =	shalt  }
0x5e: {  	_ =	shalt  }
0x5f: {  	_ =	shalt  }
0x60: {  	_ =	shalt  }
0x61: {  	_ =	shalt  }
0x62: {  	_ =	shalt  }
0x63: {  	_ =	shalt  }
0x64: {  	_ =	shalt  }
0x65: {  	_ =	shalt  }
0x66: {  	_ =	shalt  }
0x67: {  	_ =	shalt  }
0x68: {  	_ =	shalt  }
0x69: {  	_ =	shalt  }
0x6a: {  	_ =	shalt  }
0x6b: {  	_ =	shalt  }
0x6c: {  	_ =	shalt  }
0x6d: {  	_ =	shalt  }
0x6e: {  	_ =	shalt  }
0x6f: {  	_ =	shalt  }
0x70: {  	_ =	shalt  }
0x71: {  	_ =	shalt  }
0x72: {  	_ =	shalt  }
0x73: {  	_ =	shalt  }
0x74: {  	_ =	shalt  }
0x75: {  	_ =	shalt  }
0x76: {  	_ =	shalt  }
0x77: {  	_ =	shalt  }
0x78: {  	_ =	shalt  }
0x79: {  	_ =	shalt  }
0x7a: {  	_ =	shalt  }
0x7b: {  	_ =	shalt  }
0x7c: {  	_ =	shalt  }
0x7d: {  	_ =	shalt  }
0x7e: {  	_ =	shalt  }
0x7f: {  	_ =	shalt  }
0x80: {  	_ =	shalt  }
0x81: {  	_ =	shalt  }
0x82: {  	_ =	shalt  }
0x83: {  	_ =	shalt  }
0x84: {  	_ =	shalt  }
0x85: {  	_ =	shalt  }
0x86: {  	_ =	shalt  }
0x87: {  	_ =	shalt  }
.Lfunc_end0:
.L_simem_size_0:
called_computation_lowered:
.L_overlay_start_0:
0x88: {  	s2 =	sld [smem:$0x3FD9]  }
0x89: {  	s3 =	sld [smem:$0x3FFE];
	_ =	sdelay $0x1  }
0x8a: {  	s1 =	srdreg.scid  }
0x8b: {  	s0 =	sand.u32 $0x1, s1  }
0x8c: {  	s17 =	sshll.u32 s0, $0xA;
	s2 =	sadd.s32 s3, s2  }
0x8d: {  	s2 =	sadd.s32 s2, s17  }
0x8e: {  	[smem:$0x3FC4] =	sst s2  }
0x8f: {  	_ = 	snop  }
0x90: {  	s2 =	sld [smem:$0x3FC9]  }
0x91: {  	s18 =	sld [smem:$0x3FD0];
	(tm) =	ssettm $0x1  }
0x92: {  	s4 =	sld [smem:$0x3FFB];
	_ =	sdelay $0x3  }
0x93: {  	_ =	strace s4  }
0x94: {  	s4 =	sld [smem:$0x3FFC];
	_ =	sdelay $0x3  }
0x95: {  	_ =	strace s4  }
0x96: {  	s4 =	sld [smem:$0x3FFD];
	_ =	sdelay $0x3  }
0x97: {  	_ =	strace s4  }
0x98: {  	_ =	strace $0x8FFFFFFF  }
0x99: {  	s19 =	sld [smem:$0x3FDB];
	_ =	sdelay $0x1  }
0x9a: {  	s5 =	simm.s32 $_scs_section_size  }
0x9b: {  	s6 =	simm.s32 $_size__tile_overlayer_lowered;
	s7 =	simm.s32 $_tile_overlayer_lowered  }
0x9c: {  	s22 =	simm.s32 $0x1BFF;
	s21 =	sshll.u32 s7, $0x1;
	s4 =	sadd.s32 s5, s19  }
0x9d: {  	s8 =	simm.s32 $0x0;
	s20 =	sshll.u32 s6, $0x1;
	s6 =	sadd.s32 s21, s4  }
0x9e: {  	[timem:s8], [sflag:s22] =	dma.local [hbm:s6], s20  }
0x9f: {  	_ =	swait.ge [sflag:s22], s20  }
0xa0: {  	s5 =	ssub.s32 $0x0, s20;
	[sflag:s22] =	ssyncset.done $0x0  }
0xa1: {  	[sflag:s22] =	ssyncadd.s32 s5;
	_ =	sdelay $0x1  }
0xa2: {  	s23 =	simm.s32 $0x1B8B  }
0xa3: {  	_ =	swait.ge [sflag:s23], $0x1  }
0xa4: {  	[sflag:s23] =	ssyncset.done $0x0  }
0xa5: {  	s25 =	simm.s32 $0x1B8E;
	s24 =	sld [smem:$0x3FFE];
	[sflag:s23] =	ssyncadd.s32 $0xFFFFFFFF  }
0xa6: {  	s26 =	simm.s32 $execute0_lowered;
	[smem:$0x3FD2] =	sst s25  }
0xa7: {  	s6 =	sshll.u32 s26, $0x1;
	_ =	strace $0x80000046;
	[dreg:$0x1] =	wrdreg $0xFFFFFFFF  }
0xa8: {  	s28 =	simm.s32 $_size_execute0_lowered;
	s4 =	sadd.s32 s4, s6;
	[dreg:$0x0] =	wrdreg $0x0  }
0xa9: {  	s6 =	sshll.u32 s28, $0x1;
	[dreg:$0x2] =	wrdreg s4  }
0xaa: {  	[dreg:$0x3] =	wrdreg s6  }
0xab: {  	[dreg:$0x4] =	wrdreg $0xC0  }
0xac: {  	_ =	task [dreg:s8], $0x5FFFF  }
0xad: {  	[dreg:$0x1] =	wrdreg $0xFFFFFFFF  }
0xae: {  	[dreg:$0x0] =	wrdreg $0x60  }
0xaf: {  	[dreg:$0x2] =	wrdreg s24  }
0xb0: {  	[dreg:$0x3] =	wrdreg s18  }
0xb1: {  	[dreg:$0x4] =	wrdreg s2  }
0xb2: {  	[dreg:$0x5] =	wrdreg $0x9  }
0xb3: {  	_ =	task.clear_ibuf [dreg:s8], $0x6FFFF;
	_ =	strace $0x90000046  }
0xb4: {  	s29 =	simm.s32 $0x9;
	_ =	strace $0x80000048  }
0xb5: {  	_ =	swait.ge [sflag:s29], $0x1  }
0xb6: {  	[sflag:s29] =	ssyncadd.s32 $0xFFFFFFFF  }
0xb7: {  	_ =	strace $0x90000048  }
0xb8: {  	_ =	sfence  }
0xb9: {  	s30 =	sld [smem:$0x0];
	_ =	sdelay $0x2  }
0xba: {  	s31 =	sshll.u32 s1, $0xD;
	s1 =	sshrl.u32 s1, $0x2  }
0xbb: {  	s3 =	sand.u32 $0x4000, s31;
	s1 =	sadd.s32 s1, s30  }
0xbc: {  	s0 =	sor.u32 s3, s0;
	s1 =	sshll.u32 s1, $0x11  }
0xbd: {  	s0 =	sor.u32 s1, s0  }
0xbe: {  	s0 =	sadd.s32 $0x8F2B, s0  }
0xbf: {  	[sflag:s0] =	ssyncadd.remote.s32 $0x1  }
0xc0: {  	_ =	sfence.sel $0xFFFF  }
0xc1: {  	[dreg:$0x0] =	wrdreg $0xFFFFFFFF;
	(pc) =	sbr.abs _section_cstart, $3  }
0xc2: {  	[dreg:$0x1] =	wrdreg $0xFFFFFFFF  }
0xc3: {  	_ =	task.clear_ibuf [dreg:s8], $0x2FFFF;
	_ =	strace $0x9FFFFFFF  }
0xc4: {  	(tm) =	ssettm $0x7FFFFFFF  }
0xc5: {  	_ =	shalt  }
tec
execute0_lowered:
.L_overlay_start_1:
0x0: {  	(tag) =	ssettag $0x1  }
0x1: {  	s5 =	rddreg [dreg:$0x0]  }
0x2: {  	s2 =	rddreg [dreg:$0x1]  }
0x3: {  	s6 =	rddreg [dreg:$0x2]  }
0x4: {  	s0 =	rddreg [dreg:$0x3];
	s4 =	srdreg.scid  }
0x5: {  	s1 =	stileid.u32;
	s3 =	simm.s32 $0x0;
	s14 =	simm.s32 $0x4F00  }
0x6: {  	s15 =	simm.s32 $0x4F80;
	s16 =	simm.s32 $0x5380;
	s17 =	simm.s32 $0x5800  }
0x7: {  	s18 =	simm.s32 $0x5780;
	s19 =	simm.s32 $0x57A0;
	s20 =	simm.s32 $0x0  }
0x8: {  	s7 =	sand.u32 $0x1, s4;
	s31 =	sshll.u32 s1, $0x1;
	[smem:$0x7FF] =	sst s3  }
0x9: {  	s4 =	sadd.s32 $0x400, s5;
	s8 =	sor.u32 s7, s31;
	_ =	strace $0x80000047  }
0xa: {  	s7 =	ssub.s32 $0x2, s7;
	s9 =	sshll.u32 s8, $0x7;
	s10 =	sshll.u32 s8, $0x2  }
0xb: {  	s8 =	sshll.u32 s8, $0x3;
	s12 =	sshrl.u32 s7, $0x1;
	s9 =	sadd.s32 s9, s5  }
0xc: {  	v1 =	vlaneseq.u32;
	s11 =	sadd.s32 s10, s5;
	s13 =	sadd.s32 s8, s5;
	s12 =	ssub.s32 s7, s12  }
0xd: {  	v0 =	vmul.u32 $0x2, v1;
	s5 =	sadd.s32 s6, s10;
	s6 =	sadd.s32 $0xA00, s9;
	s7 =	sadd.s32 $0x1A00, s9  }
0xe: {  	v1 =	vmul.u32 $0x20, v1;
	s8 =	sadd.s32 $0x2A00, s11;
	s9 =	sadd.s32 $0x2A80, s11;
	s10 =	sadd.s32 $0x2C00, s13  }
0xf: {  	v2 =	vor.u32 $0x1, v0;
	v3 =	vor.u32 $0x20, v0;
	v4 =	vor.u32 $0x21, v0;
	s11 =	smax.u32 s12, $0x1;
	s12 =	simm.s32 $0x1;
	s13 =	simm.s32 $0x2780  }
.LBB2_1:
0x10: {  	[tilespmem:s3], [sflag:$0x1] =	stream.linear.gather [hbm4b:s4+s3], $0x2780, $0x38;
	[tilespmem:$0x5880] =	vst v63  }
0x11: {  	_ =	swait.ge [sflag:s12], $0x2780  }
0x12: {  	[sflag:s12] =	ssyncset.done $0x0  }
0x13: {  	[sflag:s12] =	ssyncadd.s32 $0xFFFFD880  }
0x14: {  	[tilespmem:s13], [sflag:$0x1] =	stream.linear.gather [hbm4b:s2+s3], $0x2780, $0x38;
	[tilespmem:$0x5880] =	vst v63  }
0x15: {  	_ =	swait.ge [sflag:s12], $0x2780  }
0x16: {  	[sflag:s12] =	ssyncset.done $0x0  }
0x17: {  	[sflag:s12] =	ssyncadd.s32 $0xFFFFD880  }
0x18: {  	[tilespmem:s14], [sflag:$0x1] =	stream.linear.gather [hbm4b:s5+s3], $0x20, $0x38;
	[tilespmem:$0x5880] =	vst v63  }
0x19: {  	_ =	swait.ge [sflag:s12], $0x20  }
0x1a: {  	[sflag:s12] =	ssyncset.done $0x0  }
0x1b: {  	[sflag:s12] =	ssyncadd.s32 $0xFFFFFFE0  }
0x1c: {  	[tilespmem:s15], [sflag:$0x1] =	stream.linear.gather [hbm4b:s6+s3], $0x400, $0x38;
	[tilespmem:$0x5880] =	vst v63  }
0x1d: {  	_ =	swait.ge [sflag:s12], $0x400  }
0x1e: {  	[sflag:s12] =	ssyncset.done $0x0  }
0x1f: {  	[sflag:s12] =	ssyncadd.s32 $0xFFFFFC00  }
0x20: {  	[tilespmem:s16], [sflag:$0x1] =	stream.linear.gather [hbm4b:s7+s3], $0x400, $0x38;
	[tilespmem:$0x5880] =	vst v63  }
0x21: {  	_ =	swait.ge [sflag:s12], $0x400  }
0x22: {  	[sflag:s12] =	ssyncset.done $0x0  }
0x23: {  	[sflag:s12] =	ssyncadd.s32 $0xFFFFFC00  }
0x24: {  	v5 =	vld [tilespmem:$0x4F00];
	_ =	sdelay $0x7  }
0x25: {  	v14 =	vld.idx.msk [tilespmem:v5+s3+$0x0], $0xffff  }
0x26: {  	v15 =	vld.idx.msk [tilespmem:v5+s13+$0x0], $0xffff  }
0x27: {  	v13 =	vor.u32 s3, v1;
	_ =	sdelay $0x2  }
0x28: {  	[tilespmem:$0x5780] =	vst v14  }
0x29: {  	[tilespmem:$0x57A0] =	vst v15  }
0x2a: {  	v5 =	vld.idx.msk [tilespmem:v13+s15+$0x0], $0xffff  }
0x2b: {  	s21 =	simm.s32 $0x1  }
0x2c: {  	v21 =	vor.u32 s21, v1;
	_ =	sdelay $0x4  }
0x2d: {  	v8 =	vld.idx.msk [tilespmem:v21+s15+$0x0], $0xffff  }
0x2e: {  	v7 =	vld.idx.msk [tilespmem:v5+s3+$0x0], $0xffff  }
0x2f: {  	v5 =	vld.idx.msk [tilespmem:v5+s13+$0x0], $0xffff;
	_ =	sdelay $0x3  }
0x30: {  	s28 =	simm.s32 $0x2  }
0x31: {  	v6 =	vor.u32 s28, v1;
	v10 =	vsub.f32 v14, v7;
	v12 =	vsub.f32 v15, v5;
	_ =	sdelay $0x1  }
0x32: {  	v5 =	vmul.f32 v10, v10;
	v7 =	vmul.f32 v12, v12  }
0x33: {  	v9 =	vld.idx.msk [tilespmem:v8+s3+$0x0], $0xffff  }
0x34: {  	v16 =	vld.idx.msk [tilespmem:v8+s13+$0x0], $0xffff;
	v5 =	vadd.f32 v7, v5  }
0x35: {  	v7 =	vld.idx.msk [tilespmem:v6+s15+$0x0], $0xffff  }
0x36: {  	v19 =	vmax.f32 v5, $9.999999960e-13  }
0x37: {  	v5 =	vshra.s32 v19, $0x1;
	v17 =	vmul.f32 $5.000000000e-01, v19  }
0x38: {  	v8 =	vsub.f32 v14, v9;
	v9 =	vsub.s32 $0x5F3759DF, v5  }
0x39: {  	s29 =	simm.s32 $0x3;
	v5 =	vsub.f32 v15, v16;
	v16 =	vmul.f32 v9, v17  }
0x3a: {  	v11 =	vor.u32 s29, v1  }
0x3b: {  	v16 =	vmul.f32 v9, v16  }
0x3c: {  	v18 =	vmul.f32 v8, v8;
	v20 =	vmul.f32 v5, v5  }
0x3d: {  	v22 =	vld.idx.msk [tilespmem:v7+s3+$0x0], $0xffff;
	v16 =	vsub.f32 $1.500000000e+00, v16  }
0x3e: {  	v7 =	vld.idx.msk [tilespmem:v7+s13+$0x0], $0xffff;
	v18 =	vadd.f32 v20, v18  }
0x3f: {  	v20 =	vld.idx.msk [tilespmem:v11+s15+$0x0], $0xffff;
	v16 =	vmul.f32 v9, v16  }
0x40: {  	v18 =	vmax.f32 v18, $9.999999960e-13  }
0x41: {  	v9 =	vshra.s32 v18, $0x1;
	v24 =	vmul.f32 $5.000000000e-01, v18;
	v17 =	vmul.f32 v16, v17  }
0x42: {  	v23 =	vsub.s32 $0x5F3759DF, v9  }
0x43: {  	v25 =	vmul.f32 v23, v24;
	v17 =	vmul.f32 v17, v16  }
0x44: {  	v9 =	vsub.f32 v14, v22;
	v7 =	vsub.f32 v15, v7  }
0x45: {  	v22 =	vmul.f32 v23, v25;
	v17 =	vsub.f32 $1.500000000e+00, v17  }
0x46: {  	s30 =	simm.s32 $0x4;
	v13 =	vld.idx.msk [tilespmem:v13+s16+$0x0], $0xffff;
	v25 =	vmul.f32 v9, v9;
	v26 =	vmul.f32 v7, v7  }
0x47: {  	v28 =	vld.idx.msk [tilespmem:v20+s13+$0x0], $0xffff;
	v22 =	vsub.f32 $1.500000000e+00, v22;
	v16 =	vmul.f32 v17, v16;
	v17 =	vor.u32 s30, v1;
	_ =	sdelay $0x1  }
0x48: {  	v27 =	vld.idx.msk [tilespmem:v20+s3+$0x0], $0xffff;
	v20 =	vadd.f32 v26, v25;
	v25 =	vmul.f32 v23, v22;
	v16 =	vmul.f32 v16, v19;
	_ =	sdelay $0x1  }
0x49: {  	v22 =	vmul.f32 v25, v24;
	v24 =	vmax.f32 v16, $9.999999770e-03  }
0x4a: {  	v24 =	vmul.f32 v24, v13;
	v13 =	vsub.f32 v15, v28;
	v28 =	vld.idx.msk [tilespmem:v17+s15+$0x0], $0xffff;
	_ =	sdelay $0x1  }
0x4b: {  	v20 =	vmax.f32 v20, $9.999999960e-13  }
0x4c: {  	v23 =	vmul.f32 $5.000000000e-01, v20;
	v19 =	vshra.s32 v20, $0x1  }
0x4d: {  	s31 =	simm.s32 $0x5;
	v16 =	vsub.f32 v14, v27;
	v27 =	vsub.s32 $0x5F3759DF, v19;
	v30 =	vmul.f32 v22, v25  }
0x4e: {  	v19 =	vimm.f32 $0.0e+00;
	v22 =	vor.u32 s31, v1;
	v29 =	vmul.f32 v27, v23  }
0x4f: {  	v31 =	vmul.f32 v16, v16;
	v30 =	vsub.f32 $1.500000000e+00, v30;
	v26 =	vmul.f32 $1.000000000e+02, v24  }
0x50: {  	s21 =	simm.s32 $0x6;
	v32 =	vmul.f32 v13, v13;
	v29 =	vmul.f32 v27, v29;
	v24 =	vld.idx.msk [tilespmem:v21+s16+$0x0], $0xffff;
	v21 =	vimm.f32 $0.0e+00  }
.LBB2_2:
0x51: {  	p0 =	sne.s32 s21, $0x1F;
	v33 =	vld.idx.msk [tilespmem:v28+s3+$0x0], $0xffff;
	v35 =	vmul.f32 v26, v10;
	v12 =	vmul.f32 v26, v12;
	v34 =	vmovc v11;
	v11 =	vmov v17  }
0x52: {  	v17 =	vmovc v22;
	v26 =	vld.idx.msk [tilespmem:v28+s13+$0x0], $0xffff;
	v31 =	vadd.f32 v32, v31;
	v29 =	vsub.f32 $1.500000000e+00, v29;
	v30 =	vmul.f32 v30, v25  }
0x53: {  	v10 =	vmovc v8;
	v8 =	vmov v9;
	v28 =	vld.idx.msk [tilespmem:v22+s15+$0x0], $0xffff;
	v19 =	vsub.f32 v19, v35;
	v21 =	vsub.f32 v21, v12  }
0x54: {  	v9 =	vmovc v16;
	v25 =	vmul.f32 v27, v29;
	v27 =	vmul.f32 v30, v18;
	v18 =	vmovc v20;
	v20 =	vmax.f32 v31, $9.999999960e-13  }
0x55: {  	v22 =	vor.u32 s21, v1;
	v29 =	vshra.s32 v20, $0x1;
	v12 =	vmovc v5;
	v5 =	vmovc v7;
	v7 =	vmov v13  }
.Ltmp0:
0x56: {  	v30 =	vmul.f32 v25, v23;
	v23 =	vmul.f32 $5.000000000e-01, v20;
	v13 =	vmax.f32 v27, $9.999999770e-03;
	(pc) =	sbr.rel @p0 .LBB2_2-.Ltmp0, $4  }
0x57: {  	v16 =	vsub.f32 v14, v33;
	v27 =	vsub.s32 $0x5F3759DF, v29;
	v24 =	vmul.f32 v13, v24  }
0x58: {  	v13 =	vsub.f32 v15, v26;
	v29 =	vmul.f32 v27, v23;
	v30 =	vmul.f32 v30, v25  }
0x59: {  	v31 =	vmul.f32 v16, v16;
	v26 =	vmul.f32 $1.000000000e+02, v24  }
0x5a: {  	s21 =	sadd.s32 $0x1, s21;
	v32 =	vmul.f32 v13, v13;
	v29 =	vmul.f32 v27, v29;
	v24 =	vld.idx.msk [tilespmem:v6+s16+$0x0], $0xffff;
	v30 =	vsub.f32 $1.500000000e+00, v30;
	v6 =	vmovc v34  }
0x5b: {  	_ =	sdelay $0x3  }
0x5c: {  	v33 =	vld.idx.msk [tilespmem:v22+s15+$0x0], $0xffff;
	_ =	sdelay $0x5  }
0x5d: {  	v34 =	vld.idx.msk [tilespmem:v28+s3+$0x0], $0xffff  }
0x5e: {  	v28 =	vld.idx.msk [tilespmem:v28+s13+$0x0], $0xffff  }
0x5f: {  	v35 =	vld.idx.msk [tilespmem:v33+s3+$0x0], $0xffff  }
0x60: {  	v31 =	vadd.f32 v32, v31;
	v51 =	vld.idx.msk [tilespmem:v33+s13+$0x0], $0xffff;
	_ =	sdelay $0x1  }
0x61: {  	v31 =	vmax.f32 v31, $9.999999960e-13;
	v52 =	vsub.f32 v14, v34  }
0x62: {  	v53 =	vshra.s32 v31, $0x1;
	v28 =	vsub.f32 v15, v28  }
0x63: {  	v36 =	vmul.f32 $5.000000000e-01, v31;
	v34 =	vsub.s32 $0x5F3759DF, v53;
	v37 =	vmul.f32 v52, v52  }
0x64: {  	v38 =	vmul.f32 v28, v28;
	v14 =	vsub.f32 v14, v35;
	v15 =	vsub.f32 v15, v51  }
0x65: {  	v54 =	vmul.f32 v34, v36  }
0x66: {  	v55 =	vadd.f32 v38, v37;
	v56 =	vmul.f32 v14, v14;
	v57 =	vmul.f32 v15, v15  }
0x67: {  	v29 =	vsub.f32 $1.500000000e+00, v29;
	v25 =	vmul.f32 v30, v25  }
0x68: {  	v30 =	vmul.f32 v34, v54;
	v58 =	vmax.f32 v55, $9.999999960e-13;
	v59 =	vadd.f32 v57, v56  }
0x69: {  	v27 =	vmul.f32 v27, v29;
	v29 =	vshra.s32 v58, $0x1;
	v60 =	vmul.f32 $5.000000000e-01, v58  }
0x6a: {  	v30 =	vsub.f32 $1.500000000e+00, v30;
	v29 =	vsub.s32 $0x5F3759DF, v29;
	v35 =	vmax.f32 v59, $9.999999960e-13  }
0x6b: {  	v61 =	vmul.f32 v29, v60;
	v39 =	vshra.s32 v35, $0x1;
	v40 =	vmul.f32 $5.000000000e-01, v35  }
0x6c: {  	v23 =	vmul.f32 v27, v23;
	v30 =	vmul.f32 v34, v30;
	v62 =	vsub.s32 $0x5F3759DF, v39  }
0x6d: {  	v38 =	vmul.f32 v29, v61;
	v39 =	vmul.f32 v62, v40  }
0x6e: {  	v23 =	vmul.f32 v23, v27;
	v36 =	vmul.f32 v30, v36  }
0x6f: {  	v18 =	vmul.f32 v25, v18;
	v25 =	vsub.f32 $1.500000000e+00, v38;
	v63 =	vmul.f32 v62, v39  }
0x70: {  	v23 =	vsub.f32 $1.500000000e+00, v23;
	v36 =	vmul.f32 v36, v30  }
0x71: {  	v18 =	vmax.f32 v18, $9.999999770e-03;
	v25 =	vmul.f32 v29, v25;
	v29 =	vsub.f32 $1.500000000e+00, v63  }
0x72: {  	v18 =	vmul.f32 v18, v24;
	v23 =	vmul.f32 v23, v27;
	v24 =	vsub.f32 $1.500000000e+00, v36  }
0x73: {  	v27 =	vmul.f32 v62, v29;
	v29 =	vmul.f32 v25, v60  }
0x74: {  	v6 =	vld.idx.msk [tilespmem:v6+s16+$0x0], $0xffff;
	v20 =	vmul.f32 v23, v20;
	v23 =	vmul.f32 v24, v30  }
0x75: {  	v11 =	vld.idx.msk [tilespmem:v11+s16+$0x0], $0xffff;
	v24 =	vmul.f32 v29, v25;
	v29 =	vmul.f32 v27, v40  }
0x76: {  	v10 =	vmul.f32 v26, v10;
	v18 =	vmul.f32 $1.000000000e+02, v18  }
0x77: {  	v23 =	vmul.f32 v23, v31;
	v24 =	vsub.f32 $1.500000000e+00, v24;
	v29 =	vmul.f32 v29, v27  }
0x78: {  	v12 =	vmul.f32 v26, v12;
	v8 =	vmul.f32 v18, v8;
	v20 =	vmax.f32 v20, $9.999999770e-03  }
0x79: {  	v17 =	vld.idx.msk [tilespmem:v17+s16+$0x0], $0xffff;
	v23 =	vmax.f32 v23, $9.999999770e-03;
	v24 =	vmul.f32 v24, v25;
	v25 =	vsub.f32 $1.500000000e+00, v29  }
0x7a: {  	v10 =	vsub.f32 v19, v10;
	v6 =	vmul.f32 v20, v6;
	v11 =	vmul.f32 v23, v11  }
0x7b: {  	v12 =	vsub.f32 v21, v12;
	v20 =	vld.idx.msk [tilespmem:v22+s16+$0x0], $0xffff;
	v19 =	vmul.f32 v24, v58;
	v21 =	vmul.f32 v25, v27  }
0x7c: {  	v5 =	vmul.f32 v18, v5;
	v8 =	vsub.f32 v10, v8;
	v6 =	vmul.f32 $1.000000000e+02, v6  }
0x7d: {  	v10 =	vmul.f32 $1.000000000e+02, v11;
	v11 =	vmax.f32 v19, $9.999999770e-03;
	v18 =	vmul.f32 v21, v35  }
0x7e: {  	v5 =	vsub.f32 v12, v5;
	v9 =	vmul.f32 v6, v9;
	v11 =	vmul.f32 v11, v17  }
0x7f: {  	v6 =	vmul.f32 v6, v7;
	v7 =	vmul.f32 v10, v16;
	v12 =	vmax.f32 v18, $9.999999770e-03  }
0x80: {  	v8 =	vsub.f32 v8, v9;
	v9 =	vmul.f32 $1.000000000e+02, v11;
	v11 =	vmul.f32 v12, v20  }
0x81: {  	v5 =	vsub.f32 v5, v6;
	v6 =	vmul.f32 v10, v13  }
0x82: {  	v7 =	vsub.f32 v8, v7;
	v8 =	vmul.f32 v9, v52;
	v10 =	vmul.f32 $1.000000000e+02, v11  }
0x83: {  	v5 =	vsub.f32 v5, v6;
	v6 =	vmul.f32 v9, v28  }
0x84: {  	v7 =	vsub.f32 v7, v8;
	v8 =	vmul.f32 v10, v14  }
0x85: {  	v5 =	vsub.f32 v5, v6;
	v6 =	vmul.f32 v10, v15  }
0x86: {  	v7 =	vsub.f32 v7, v8  }
0x87: {  	v5 =	vsub.f32 v5, v6  }
0x88: {  	[tilespmem:v0+s17+$0x0] =	vst.idx.msk $0xffff, v7  }
0x89: {  	[tilespmem:v2+s17+$0x0] =	vst.idx.msk $0xffff, v5  }
0x8a: {  	v5 =	vld [tilespmem:$0x4F10];
	_ =	sdelay $0x7  }
0x8b: {  	v13 =	vld.idx.msk [tilespmem:v5+s3+$0x0], $0xffff  }
0x8c: {  	s21 =	simm.s32 $0x200;
	v14 =	vld.idx.msk [tilespmem:v5+s13+$0x0], $0xffff  }
0x8d: {  	v15 =	vor.u32 s21, v1;
	_ =	sdelay $0x2  }
0x8e: {  	[tilespmem:$0x5790] =	vst v13  }
0x8f: {  	[tilespmem:$0x57B0] =	vst v14  }
0x90: {  	v5 =	vld.idx.msk [tilespmem:v15+s15+$0x0], $0xffff  }
0x91: {  	s26 =	simm.s32 $0x201  }
0x92: {  	v21 =	vor.u32 s26, v1;
	_ =	sdelay $0x4  }
0x93: {  	v8 =	vld.idx.msk [tilespmem:v21+s15+$0x0], $0xffff  }
0x94: {  	v7 =	vld.idx.msk [tilespmem:v5+s3+$0x0], $0xffff  }
0x95: {  	v5 =	vld.idx.msk [tilespmem:v5+s13+$0x0], $0xffff;
	_ =	sdelay $0x3  }
0x96: {  	s28 =	simm.s32 $0x202  }
0x97: {  	v6 =	vor.u32 s28, v1;
	v10 =	vsub.f32 v13, v7;
	v12 =	vsub.f32 v14, v5;
	_ =	sdelay $0x1  }
0x98: {  	v5 =	vmul.f32 v10, v10;
	v7 =	vmul.f32 v12, v12  }
0x99: {  	v9 =	vld.idx.msk [tilespmem:v8+s3+$0x0], $0xffff  }
0x9a: {  	v16 =	vld.idx.msk [tilespmem:v8+s13+$0x0], $0xffff;
	v5 =	vadd.f32 v7, v5  }
0x9b: {  	v7 =	vld.idx.msk [tilespmem:v6+s15+$0x0], $0xffff  }
0x9c: {  	v19 =	vmax.f32 v5, $9.999999960e-13  }
0x9d: {  	v5 =	vshra.s32 v19, $0x1;
	v17 =	vmul.f32 $5.000000000e-01, v19  }
0x9e: {  	v8 =	vsub.f32 v13, v9;
	v9 =	vsub.s32 $0x5F3759DF, v5  }
0x9f: {  	s29 =	simm.s32 $0x203;
	v5 =	vsub.f32 v14, v16;
	v16 =	vmul.f32 v9, v17  }
0xa0: {  	v11 =	vor.u32 s29, v1  }
0xa1: {  	v16 =	vmul.f32 v9, v16  }
0xa2: {  	v18 =	vmul.f32 v8, v8;
	v20 =	vmul.f32 v5, v5  }
0xa3: {  	v22 =	vld.idx.msk [tilespmem:v7+s3+$0x0], $0xffff;
	v16 =	vsub.f32 $1.500000000e+00, v16  }
0xa4: {  	v7 =	vld.idx.msk [tilespmem:v7+s13+$0x0], $0xffff;
	v18 =	vadd.f32 v20, v18  }
0xa5: {  	v20 =	vld.idx.msk [tilespmem:v11+s15+$0x0], $0xffff;
	v16 =	vmul.f32 v9, v16  }
0xa6: {  	v18 =	vmax.f32 v18, $9.999999960e-13  }
0xa7: {  	v9 =	vshra.s32 v18, $0x1;
	v24 =	vmul.f32 $5.000000000e-01, v18;
	v17 =	vmul.f32 v16, v17  }
0xa8: {  	v23 =	vsub.s32 $0x5F3759DF, v9  }
0xa9: {  	v25 =	vmul.f32 v23, v24;
	v17 =	vmul.f32 v17, v16  }
0xaa: {  	v9 =	vsub.f32 v13, v22;
	v7 =	vsub.f32 v14, v7  }
0xab: {  	v22 =	vmul.f32 v23, v25;
	v17 =	vsub.f32 $1.500000000e+00, v17  }
0xac: {  	s30 =	simm.s32 $0x204;
	v15 =	vld.idx.msk [tilespmem:v15+s16+$0x0], $0xffff;
	v25 =	vmul.f32 v9, v9;
	v26 =	vmul.f32 v7, v7  }
0xad: {  	v28 =	vld.idx.msk [tilespmem:v20+s13+$0x0], $0xffff;
	v22 =	vsub.f32 $1.500000000e+00, v22;
	v16 =	vmul.f32 v17, v16;
	v17 =	vor.u32 s30, v1;
	_ =	sdelay $0x1  }
0xae: {  	v27 =	vld.idx.msk [tilespmem:v20+s3+$0x0], $0xffff;
	v20 =	vadd.f32 v26, v25;
	v25 =	vmul.f32 v23, v22;
	v16 =	vmul.f32 v16, v19;
	_ =	sdelay $0x1  }
0xaf: {  	v22 =	vmul.f32 v25, v24;
	v24 =	vmax.f32 v16, $9.999999770e-03  }
0xb0: {  	v24 =	vmul.f32 v24, v15;
	v15 =	vsub.f32 v14, v28;
	v28 =	vld.idx.msk [tilespmem:v17+s15+$0x0], $0xffff;
	_ =	sdelay $0x1  }
0xb1: {  	v20 =	vmax.f32 v20, $9.999999960e-13  }
0xb2: {  	v23 =	vmul.f32 $5.000000000e-01, v20;
	v19 =	vshra.s32 v20, $0x1  }
0xb3: {  	s31 =	simm.s32 $0x205;
	v16 =	vsub.f32 v13, v27;
	v27 =	vsub.s32 $0x5F3759DF, v19;
	v30 =	vmul.f32 v22, v25  }
0xb4: {  	v19 =	vimm.f32 $0.0e+00;
	v22 =	vor.u32 s31, v1;
	v29 =	vmul.f32 v27, v23  }
0xb5: {  	v31 =	vmul.f32 v16, v16;
	v30 =	vsub.f32 $1.500000000e+00, v30;
	v26 =	vmul.f32 $1.000000000e+02, v24  }
0xb6: {  	s21 =	simm.s32 $0x206;
	v32 =	vmul.f32 v15, v15;
	v29 =	vmul.f32 v27, v29;
	v24 =	vld.idx.msk [tilespmem:v21+s16+$0x0], $0xffff;
	v21 =	vimm.f32 $0.0e+00  }
.LBB2_4:
0xb7: {  	p0 =	sne.s32 s21, $0x21F;
	v33 =	vld.idx.msk [tilespmem:v28+s3+$0x0], $0xffff;
	v35 =	vmul.f32 v26, v10;
	v12 =	vmul.f32 v26, v12;
	v34 =	vmovc v11;
	v11 =	vmov v17  }
0xb8: {  	v17 =	vmovc v22;
	v26 =	vld.idx.msk [tilespmem:v28+s13+$0x0], $0xffff;
	v31 =	vadd.f32 v32, v31;
	v29 =	vsub.f32 $1.500000000e+00, v29;
	v30 =	vmul.f32 v30, v25  }
0xb9: {  	v10 =	vmovc v8;
	v8 =	vmov v9;
	v28 =	vld.idx.msk [tilespmem:v22+s15+$0x0], $0xffff;
	v19 =	vsub.f32 v19, v35;
	v21 =	vsub.f32 v21, v12  }
0xba: {  	v9 =	vmovc v16;
	v25 =	vmul.f32 v27, v29;
	v27 =	vmul.f32 v30, v18;
	v18 =	vmovc v20;
	v20 =	vmax.f32 v31, $9.999999960e-13  }
0xbb: {  	v22 =	vor.u32 s21, v1;
	v29 =	vshra.s32 v20, $0x1;
	v12 =	vmovc v5;
	v5 =	vmovc v7;
	v7 =	vmov v15  }
.Ltmp1:
0xbc: {  	v30 =	vmul.f32 v25, v23;
	v23 =	vmul.f32 $5.000000000e-01, v20;
	v15 =	vmax.f32 v27, $9.999999770e-03;
	(pc) =	sbr.rel @p0 .LBB2_4-.Ltmp1, $4  }
0xbd: {  	v16 =	vsub.f32 v13, v33;
	v27 =	vsub.s32 $0x5F3759DF, v29;
	v24 =	vmul.f32 v15, v24  }
0xbe: {  	v15 =	vsub.f32 v14, v26;
	v29 =	vmul.f32 v27, v23;
	v30 =	vmul.f32 v30, v25  }
0xbf: {  	v31 =	vmul.f32 v16, v16;
	v26 =	vmul.f32 $1.000000000e+02, v24  }
0xc0: {  	s21 =	sadd.s32 $0x1, s21;
	v32 =	vmul.f32 v15, v15;
	v29 =	vmul.f32 v27, v29;
	v24 =	vld.idx.msk [tilespmem:v6+s16+$0x0], $0xffff;
	v30 =	vsub.f32 $1.500000000e+00, v30;
	v6 =	vmovc v34  }
0xc1: {  	_ =	sdelay $0x3  }
0xc2: {  	v33 =	vld.idx.msk [tilespmem:v22+s15+$0x0], $0xffff;
	_ =	sdelay $0x5  }
0xc3: {  	v50 =	vld.idx.msk [tilespmem:v28+s13+$0x0], $0xffff  }
0xc4: {  	v34 =	vld.idx.msk [tilespmem:v28+s3+$0x0], $0xffff  }
0xc5: {  	v35 =	vld.idx.msk [tilespmem:v33+s3+$0x0], $0xffff  }
0xc6: {  	v31 =	vadd.f32 v32, v31;
	v51 =	vld.idx.msk [tilespmem:v33+s13+$0x0], $0xffff;
	_ =	sdelay $0x1  }
0xc7: {  	v31 =	vmax.f32 v31, $9.999999960e-13;
	v28 =	vsub.f32 v14, v50  }
0xc8: {  	v52 =	vshra.s32 v31, $0x1;
	v33 =	vsub.f32 v13, v34  }
0xc9: {  	v36 =	vmul.f32 $5.000000000e-01, v31;
	v38 =	vmul.f32 v28, v28;
	v34 =	vsub.s32 $0x5F3759DF, v52  }
0xca: {  	v37 =	vmul.f32 v33, v33;
	v13 =	vsub.f32 v13, v35;
	v14 =	vsub.f32 v14, v51  }
0xcb: {  	v53 =	vmul.f32 v34, v36  }
0xcc: {  	v54 =	vadd.f32 v38, v37;
	v55 =	vmul.f32 v13, v13;
	v56 =	vmul.f32 v14, v14  }
0xcd: {  	v29 =	vsub.f32 $1.500000000e+00, v29;
	v25 =	vmul.f32 v30, v25  }
0xce: {  	v57 =	vmul.f32 v34, v53;
	v58 =	vmax.f32 v54, $9.999999960e-13;
	v59 =	vadd.f32 v56, v55  }
0xcf: {  	v27 =	vmul.f32 v27, v29;
	v60 =	vshra.s32 v58, $0x1;
	v61 =	vmul.f32 $5.000000000e-01, v58  }
0xd0: {  	v30 =	vsub.f32 $1.500000000e+00, v57;
	v29 =	vsub.s32 $0x5F3759DF, v60;
	v35 =	vmax.f32 v59, $9.999999960e-13  }
0xd1: {  	v62 =	vmul.f32 v29, v61;
	v39 =	vshra.s32 v35, $0x1;
	v40 =	vmul.f32 $5.000000000e-01, v35  }
0xd2: {  	v10 =	vmul.f32 v26, v10;
	v30 =	vmul.f32 v34, v30;
	v63 =	vsub.s32 $0x5F3759DF, v39  }
0xd3: {  	v38 =	vmul.f32 v29, v62;
	v39 =	vmul.f32 v63, v40  }
0xd4: {  	v23 =	vmul.f32 v27, v23;
	v36 =	vmul.f32 v30, v36  }
0xd5: {  	v18 =	vmul.f32 v25, v18;
	v42 =	vsub.f32 $1.500000000e+00, v38;
	v43 =	vmul.f32 v63, v39  }
0xd6: {  	v23 =	vmul.f32 v23, v27;
	v36 =	vmul.f32 v36, v30  }
0xd7: {  	v18 =	vmax.f32 v18, $9.999999770e-03;
	v25 =	vmul.f32 v29, v42;
	v44 =	vsub.f32 $1.500000000e+00, v43  }
0xd8: {  	v18 =	vmul.f32 v18, v24;
	v23 =	vsub.f32 $1.500000000e+00, v23;
	v45 =	vsub.f32 $1.500000000e+00, v36  }
0xd9: {  	v47 =	vmul.f32 v25, v61;
	v46 =	vmul.f32 v63, v44  }
0xda: {  	v6 =	vld.idx.msk [tilespmem:v6+s16+$0x0], $0xffff;
	v23 =	vmul.f32 v23, v27;
	v48 =	vmul.f32 v45, v30  }
0xdb: {  	v11 =	vld.idx.msk [tilespmem:v11+s16+$0x0], $0xffff;
	v49 =	vmul.f32 v47, v25;
	v50 =	vmul.f32 v46, v40  }
0xdc: {  	v18 =	vmul.f32 $1.000000000e+02, v18;
	v20 =	vmul.f32 v23, v20  }
0xdd: {  	v23 =	vmul.f32 v48, v31;
	v24 =	vsub.f32 $1.500000000e+00, v49;
	v29 =	vmul.f32 v50, v46  }
0xde: {  	v12 =	vmul.f32 v26, v12;
	v8 =	vmul.f32 v18, v8;
	v20 =	vmax.f32 v20, $9.999999770e-03  }
0xdf: {  	v17 =	vld.idx.msk [tilespmem:v17+s16+$0x0], $0xffff;
	v23 =	vmax.f32 v23, $9.999999770e-03;
	v24 =	vmul.f32 v24, v25;
	v51 =	vsub.f32 $1.500000000e+00, v29  }
0xe0: {  	v10 =	vsub.f32 v19, v10;
	v6 =	vmul.f32 v20, v6;
	v11 =	vmul.f32 v23, v11  }
0xe1: {  	v12 =	vsub.f32 v21, v12;
	v53 =	vld.idx.msk [tilespmem:v22+s16+$0x0], $0xffff;
	v52 =	vmul.f32 v24, v58;
	v54 =	vmul.f32 v51, v46  }
0xe2: {  	v5 =	vmul.f32 v18, v5;
	v8 =	vsub.f32 v10, v8;
	v6 =	vmul.f32 $1.000000000e+02, v6  }
0xe3: {  	v55 =	vmul.f32 $1.000000000e+02, v11;
	v56 =	vmax.f32 v52, $9.999999770e-03;
	v57 =	vmul.f32 v54, v35  }
0xe4: {  	v5 =	vsub.f32 v12, v5;
	v9 =	vmul.f32 v6, v9;
	v11 =	vmul.f32 v56, v17  }
0xe5: {  	v6 =	vmul.f32 v6, v7;
	v7 =	vmul.f32 v55, v16;
	v58 =	vmax.f32 v57, $9.999999770e-03  }
0xe6: {  	v8 =	vsub.f32 v8, v9;
	v59 =	vmul.f32 $1.000000000e+02, v11;
	v60 =	vmul.f32 v58, v53  }
0xe7: {  	v5 =	vsub.f32 v5, v6;
	v6 =	vmul.f32 v55, v15  }
0xe8: {  	v7 =	vsub.f32 v8, v7;
	v61 =	vmul.f32 v59, v33;
	v62 =	vmul.f32 $1.000000000e+02, v60  }
0xe9: {  	v5 =	vsub.f32 v5, v6;
	v6 =	vmul.f32 v59, v28  }
0xea: {  	v7 =	vsub.f32 v7, v61;
	v63 =	vmul.f32 v62, v13  }
0xeb: {  	v5 =	vsub.f32 v5, v6;
	v6 =	vmul.f32 v62, v14  }
0xec: {  	v7 =	vsub.f32 v7, v63  }
0xed: {  	v5 =	vsub.f32 v5, v6  }
0xee: {  	[tilespmem:v3+s17+$0x0] =	vst.idx.msk $0xffff, v7  }
0xef: {  	[tilespmem:v4+s17+$0x0] =	vst.idx.msk $0xffff, v5  }
0xf0: {  	[hbm4b:s8+s3] =	stream.linear.scatter [tilespmem:s18], [sflag:$0x1], $0x20, $0x38;
	[tilespmem:$0x5880] =	vst v63  }
0xf1: {  	_ =	swait.ge [sflag:s12], $0x20  }
0xf2: {  	[sflag:s12] =	ssyncset.done $0x0  }
0xf3: {  	[sflag:s12] =	ssyncadd.s32 $0xFFFFFFE0  }
0xf4: {  	[hbm4b:s9+s3] =	stream.linear.scatter [tilespmem:s19], [sflag:$0x1], $0x20, $0x38;
	[tilespmem:$0x5880] =	vst v63  }
0xf5: {  	s20 =	sadd.s32 $0x1, s20;
	_ =	swait.ge [sflag:s12], $0x20  }
0xf6: {  	p0 =	sne.s32 s20, s11;
	[sflag:s12] =	ssyncset.done $0x0  }
.Ltmp2:
0xf7: {  	[sflag:s12] =	ssyncadd.s32 $0xFFFFFFE0;
	(pc) =	sbr.rel @p0 .LBB2_1-.Ltmp2, $4  }
0xf8: {  	[hbm4b:s10+s3] =	stream.linear.scatter [tilespmem:s17], [sflag:$0x1], $0x40, $0x38;
	[tilespmem:$0x5880] =	vst v63  }
0xf9: {  	_ =	swait.ge [sflag:s12], $0x40  }
0xfa: {  	[sflag:s12] =	ssyncset.done $0x0  }
0xfb: {  	[sflag:s12] =	ssyncadd.s32 $0xFFFFFFC0  }
0xfc: {  	_ =	sfence.sel $0x180000  }
0xfd: {  	[bflag:$0x0] =	sbarrier.arrive $0xFFFF  }
0xfe: {  	p0 =	sne.s32 s1, $0x0;
	_ =	strace $0x90000047  }
0xff: {  	s0 =	sadd.s32 @!p0 $0x100000, s0;
	[bflag:$0x2] =	sbarrier.arrive $0xFFFF  }
0x100: {  	[sflag:s0] =	ssyncadd.tile.s32 @!p0 $0x1;
	_ =	shalt  }
.Lfunc_end2:
_tile_overlayer_lowered:
.L_overlay_start_2:
0x101: {  	(tag) =	ssettag $0x2  }
0x102: {  	s0 =	rddreg [dreg:$0x0];
	s2 =	stileid.u32  }
0x103: {  	s1 =	rddreg [dreg:$0x1];
	p0 =	sne.s32 s2, $0x0  }
0x104: {  	s3 =	rddreg [dreg:$0x2];
	[bflag:$0x3] =	sbarrier.arrive $0xFFFF;
	s2 =	simm.s32 @!p0 $0x1C01  }
0x105: {  	[timem:s3], [sflag:s2] =	dma.local @!p0 [hbm:s0], s1  }
0x106: {  	s0 =	simm.s32 @!p0 $0x1  }
0x107: {  	_ =	swait.ge @!p0 [sflag:s0], s1  }
0x108: {  	s1 =	ssub.s32 @!p0 $0x0, s1;
	[sflag:s0] =	ssyncset.done @!p0 $0x0  }
0x109: {  	[sflag:s0] =	ssyncadd.s32 @!p0 s1  }
0x10a: {  	[bflag:$0x3] =	sbarrier.arrive $0xFFFF  }
0x10b: {  	_ =	shalt  }

// kernel: kernel.8.cloned.1.call-start
scs
__scs_entry_jumppad:
0x0: {  	(pc) =	sbr.rel $0x88, $3  }
0x1: {  	(tag) =	ssettag $0x0;
	lr =	simm.s32 $0x1  }
0x2: {  	[smem:$0x3F9D] =	sst lr;
	_ =	strace $0xD0000000  }
0x3: {  	_ = 	snop  }
0x4: {  	_ = 	snop  }
0x5: {  	_ = 	snop  }
0x6: {  	_ = 	snop  }
0x7: {  	_ = 	snop  }
__scs_overlays_trampoline_lowered:
0x8: {  	[smem:$0x3FAC] =	sst s0  }
0x9: {  	[smem:$0x3FAD] =	sst s1  }
0xa: {  	[smem:$0x3FAE] =	sst s2  }
0xb: {  	[smem:$0x3FAF] =	sst s3  }
0xc: {  	[smem:$0x3FB0] =	sst s4  }
0xd: {  	[smem:$0x3FB1] =	sst s5  }
0xe: {  	[smem:$0x3FB2] =	sst s6  }
0xf: {  	[smem:$0x3FB3] =	sst s7  }
0x10: {  	[smem:$0x3FB4] =	sst s8  }
0x11: {  	[smem:$0x3FB5] =	sst s9;
	s0 =	simm.s32 @!p0 $0x0  }
0x12: {  	s1 =	sld [smem:$0x3F9B];
	s0 =	simm.s32 @p0 $0x1  }
0x13: {  	[smem:$0x3FB6] =	sst s0;
	s0 =	simm.s32 @!p1 $0x0  }
0x14: {  	s2 =	sld [smem:$0x3F9A];
	s0 =	simm.s32 @p1 $0x1  }
0x15: {  	[smem:$0x3FB7] =	sst s0;
	s0 =	simm.s32 @!p2 $0x0  }
0x16: {  	s3 =	sld [smem:$0x3FDB];
	s0 =	simm.s32 @p2 $0x1  }
0x17: {  	s4 =	simm.s32 $0x1BF5;
	[smem:$0x3FB9] =	sst s0  }
0x18: {  	s0 =	sld [smem:$0x3F9C];
	_ =	swait.ge [sflag:s4], $0x0  }
0x19: {  	s7 =	sld [smem:$0x3F9D]  }
0x1a: {  	s8 =	sadd.s32 $0xFFFFE003, lr  }
0x1b: {  	s9 =	sadd.s32 $0xFFFFFEF7, lr;
	s5 =	simm.s32 $0xFFFFFFFF;
	p2 =	slt.u32 s8, $0xFFFFF086  }
0x1c: {  	p1 =	slt.u32 s9, $0xF7A;
	s5 =	simm.s32 @!p2 $0x0  }
0x1d: {  	s5 =	simm.s32 @p1 $0x1;
	p0 =	seq.s32 s7, s2  }
0x1e: {  	s7 =	smul.u32 @!p0 $0xF7A, s2;
	p2 =	seq.s32 @!p0 s5, $0x0  }
0x1f: {  	s9 =	smul.u32 $0xF7A, s1;
	s8 =	simm.s32 @!p0 $0x1BF5;
	p2 =	por !p2, p0  }
0x20: {  	[sflag:s8] =	ssyncset.s32 @!p0 $0xFFFFF086;
	s6 =	sadd.s32 @!p0 s3, s7;
	s7 =	simm.s32 @!p0 $0x108  }
0x21: {  	s3 =	sadd.s32 s3, s9;
	s6 =	sadd.s32 @!p0 $0x88, s6;
	s7 =	simm.s32 @p2 $0x1082  }
0x22: {  	[simem:s7], [sflag:s8] =	dma.local @!p0 [hbm:s6], $0xF7A  }
0x23: {  	s9 =	sor.u32 $0xD0000000, s2;
	s6 =	simm.s32 $0x108;
	_ =	swait.ge @!p0 [sflag:s8], $0x0  }
0x24: {  	s3 =	sadd.s32 $0x88, s3;
	s6 =	simm.s32 @!p1 $0x1082;
	[sflag:s4] =	ssyncset.s32 $0xFFFFF086  }
0x25: {  	[simem:s6], [sflag:s4] =	dma.local [hbm:s3], $0xF7A  }
0x26: {  	[smem:$0x3F9D] =	sst s1;
	(tag) =	ssettag s2;
	_ =	strace s9  }
0x27: {  	s1 =	sld [smem:$0x3FAD]  }
0x28: {  	s2 =	sld [smem:$0x3FAE]  }
0x29: {  	s4 =	sld [smem:$0x3FB0]  }
0x2a: {  	p0 =	seq.s32 s5, $0x0;
	s5 =	sld [smem:$0x3FB1]  }
0x2b: {  	s6 =	sld [smem:$0x3FB2]  }
0x2c: {  	s7 =	sld [smem:$0x3FB3]  }
0x2d: {  	s3 =	simm.s32 $0x108;
	s8 =	sld [smem:$0x3FB4]  }
0x2e: {  	s3 =	simm.s32 @!p0 $0x1082;
	s9 =	sld [smem:$0x3FB5]  }
0x2f: {  	lr =	sadd.s32 s0, s3;
	s0 =	sld [smem:$0x3FAC]  }
0x30: {  	s3 =	sld [smem:$0x3FAF]  }
0x31: {  	[smem:$0x3FB8] =	sst s10  }
0x32: {  	s10 =	sld [smem:$0x3FB6];
	_ =	sdelay $0x3  }
0x33: {  	p0 =	seq.s32 s10, $0x1;
	s10 =	sld [smem:$0x3FB8];
	_ =	sdelay $0x3  }
0x34: {  	[smem:$0x3FB8] =	sst s10  }
0x35: {  	s10 =	sld [smem:$0x3FB7];
	_ =	sdelay $0x3  }
0x36: {  	p1 =	seq.s32 s10, $0x1;
	s10 =	sld [smem:$0x3FB8];
	_ =	sdelay $0x3  }
0x37: {  	[smem:$0x3FB8] =	sst s10  }
0x38: {  	s10 =	sld [smem:$0x3FB9]  }
0x39: {  	_ = 	snop;
	(pc) =	sbr.ind lr, $3  }
0x3a: {  	_ = 	snop  }
0x3b: {  	_ = 	snop  }
0x3c: {  	p2 =	seq.s32 s10, $0x1;
	s10 =	sld [smem:$0x3FB8]  }
0x3d: {  	_ =	shalt  }
0x3e: {  	_ =	shalt  }
0x3f: {  	_ =	shalt  }
0x40: {  	_ =	shalt  }
0x41: {  	_ =	shalt  }
0x42: {  	_ =	shalt  }
0x43: {  	_ =	shalt  }
0x44: {  	_ =	shalt  }
0x45: {  	_ =	shalt  }
0x46: {  	_ =	shalt  }
0x47: {  	_ =	shalt  }
0x48: {  	_ =	shalt  }
0x49: {  	_ =	shalt  }
0x4a: {  	_ =	shalt  }
0x4b: {  	_ =	shalt  }
0x4c: {  	_ =	shalt  }
0x4d: {  	_ =	shalt  }
0x4e: {  	_ =	shalt  }
0x4f: {  	_ =	shalt  }
0x50: {  	_ =	shalt  }
0x51: {  	_ =	shalt  }
0x52: {  	_ =	shalt  }
0x53: {  	_ =	shalt  }
0x54: {  	_ =	shalt  }
0x55: {  	_ =	shalt  }
0x56: {  	_ =	shalt  }
0x57: {  	_ =	shalt  }
0x58: {  	_ =	shalt  }
0x59: {  	_ =	shalt  }
0x5a: {  	_ =	shalt  }
0x5b: {  	_ =	shalt  }
0x5c: {  	_ =	shalt  }
0x5d: {  	_ =	shalt  }
0x5e: {  	_ =	shalt  }
0x5f: {  	_ =	shalt  }
0x60: {  	_ =	shalt  }
0x61: {  	_ =	shalt  }
0x62: {  	_ =	shalt  }
0x63: {  	_ =	shalt  }
0x64: {  	_ =	shalt  }
0x65: {  	_ =	shalt  }
0x66: {  	_ =	shalt  }
0x67: {  	_ =	shalt  }
0x68: {  	_ =	shalt  }
0x69: {  	_ =	shalt  }
0x6a: {  	_ =	shalt  }
0x6b: {  	_ =	shalt  }
0x6c: {  	_ =	shalt  }
0x6d: {  	_ =	shalt  }
0x6e: {  	_ =	shalt  }
0x6f: {  	_ =	shalt  }
0x70: {  	_ =	shalt  }
0x71: {  	_ =	shalt  }
0x72: {  	_ =	shalt  }
0x73: {  	_ =	shalt  }
0x74: {  	_ =	shalt  }
0x75: {  	_ =	shalt  }
0x76: {  	_ =	shalt  }
0x77: {  	_ =	shalt  }
0x78: {  	_ =	shalt  }
0x79: {  	_ =	shalt  }
0x7a: {  	_ =	shalt  }
0x7b: {  	_ =	shalt  }
0x7c: {  	_ =	shalt  }
0x7d: {  	_ =	shalt  }
0x7e: {  	_ =	shalt  }
0x7f: {  	_ =	shalt  }
0x80: {  	_ =	shalt  }
0x81: {  	_ =	shalt  }
0x82: {  	_ =	shalt  }
0x83: {  	_ =	shalt  }
0x84: {  	_ =	shalt  }
0x85: {  	_ =	shalt  }
0x86: {  	_ =	shalt  }
0x87: {  	_ =	shalt  }
.Lfunc_end0:
.L_simem_size_0:
called_computation.1_lowered:
.L_overlay_start_0:
0x88: {  	s2 =	sld [smem:$0x3FD9]  }
0x89: {  	s3 =	sld [smem:$0x3FFE];
	_ =	sdelay $0x1  }
0x8a: {  	s1 =	srdreg.scid  }
0x8b: {  	s0 =	sand.u32 $0x1, s1  }
0x8c: {  	s17 =	sshll.u32 s0, $0xA;
	s2 =	sadd.s32 s3, s2  }
0x8d: {  	s2 =	sadd.s32 s2, s17  }
0x8e: {  	[smem:$0x3FC4] =	sst s2  }
0x8f: {  	_ = 	snop  }
0x90: {  	s2 =	sld [smem:$0x3FC9]  }
0x91: {  	s18 =	sld [smem:$0x3FD0];
	(tm) =	ssettm $0x1  }
0x92: {  	s4 =	sld [smem:$0x3FFB];
	_ =	sdelay $0x3  }
0x93: {  	_ =	strace s4  }
0x94: {  	s4 =	sld [smem:$0x3FFC];
	_ =	sdelay $0x3  }
0x95: {  	_ =	strace s4  }
0x96: {  	s4 =	sld [smem:$0x3FFD];
	_ =	sdelay $0x3  }
0x97: {  	_ =	strace s4  }
0x98: {  	_ =	strace $0x8FFFFFFF  }
0x99: {  	s19 =	sld [smem:$0x3FDB];
	_ =	sdelay $0x1  }
0x9a: {  	s5 =	simm.s32 $_scs_section_size  }
0x9b: {  	s6 =	simm.s32 $_size__tile_overlayer_lowered;
	s7 =	simm.s32 $_tile_overlayer_lowered  }
0x9c: {  	s22 =	simm.s32 $0x1BFF;
	s21 =	sshll.u32 s7, $0x1;
	s4 =	sadd.s32 s5, s19  }
0x9d: {  	s8 =	simm.s32 $0x0;
	s20 =	sshll.u32 s6, $0x1;
	s6 =	sadd.s32 s21, s4  }
0x9e: {  	[timem:s8], [sflag:s22] =	dma.local [hbm:s6], s20  }
0x9f: {  	_ =	swait.ge [sflag:s22], s20  }
0xa0: {  	s5 =	ssub.s32 $0x0, s20;
	[sflag:s22] =	ssyncset.done $0x0  }
0xa1: {  	[sflag:s22] =	ssyncadd.s32 s5;
	_ =	sdelay $0x1  }
0xa2: {  	s23 =	simm.s32 $0x1B8B  }
0xa3: {  	_ =	swait.ge [sflag:s23], $0x1  }
0xa4: {  	[sflag:s23] =	ssyncset.done $0x0  }
0xa5: {  	s25 =	simm.s32 $0x1B8E;
	s24 =	sld [smem:$0x3FFE];
	[sflag:s23] =	ssyncadd.s32 $0xFFFFFFFF  }
0xa6: {  	s26 =	simm.s32 $execute0_lowered;
	[smem:$0x3FD2] =	sst s25  }
0xa7: {  	s6 =	sshll.u32 s26, $0x1;
	_ =	strace $0x80000049;
	[dreg:$0x1] =	wrdreg $0xFFFFFFFF  }
0xa8: {  	s28 =	simm.s32 $_size_execute0_lowered;
	s4 =	sadd.s32 s4, s6;
	[dreg:$0x0] =	wrdreg $0x0  }
0xa9: {  	s6 =	sshll.u32 s28, $0x1;
	[dreg:$0x2] =	wrdreg s4  }
0xaa: {  	[dreg:$0x3] =	wrdreg s6  }
0xab: {  	[dreg:$0x4] =	wrdreg $0xC0  }
0xac: {  	_ =	task [dreg:s8], $0x5FFFF  }
0xad: {  	[dreg:$0x1] =	wrdreg $0xFFFFFFFF  }
0xae: {  	[dreg:$0x0] =	wrdreg $0x60  }
0xaf: {  	[dreg:$0x2] =	wrdreg s2  }
0xb0: {  	[dreg:$0x3] =	wrdreg s18  }
0xb1: {  	[dreg:$0x4] =	wrdreg s24  }
0xb2: {  	[dreg:$0x5] =	wrdreg $0x9  }
0xb3: {  	_ =	task.clear_ibuf [dreg:s8], $0x6FFFF;
	_ =	strace $0x90000049  }
0xb4: {  	s29 =	simm.s32 $0x9;
	_ =	strace $0x8000004B  }
0xb5: {  	_ =	swait.ge [sflag:s29], $0x1  }
0xb6: {  	[sflag:s29] =	ssyncadd.s32 $0xFFFFFFFF  }
0xb7: {  	_ =	strace $0x9000004B  }
0xb8: {  	_ =	sfence  }
0xb9: {  	s30 =	sld [smem:$0x0];
	_ =	sdelay $0x2  }
0xba: {  	s31 =	sshll.u32 s1, $0xD;
	s1 =	sshrl.u32 s1, $0x2  }
0xbb: {  	s3 =	sand.u32 $0x4000, s31;
	s1 =	sadd.s32 s1, s30  }
0xbc: {  	s0 =	sor.u32 s3, s0;
	s1 =	sshll.u32 s1, $0x11  }
0xbd: {  	s0 =	sor.u32 s1, s0  }
0xbe: {  	s0 =	sadd.s32 $0x8F2B, s0  }
0xbf: {  	[sflag:s0] =	ssyncadd.remote.s32 $0x1  }
0xc0: {  	_ =	sfence.sel $0xFFFF  }
0xc1: {  	[dreg:$0x0] =	wrdreg $0xFFFFFFFF;
	(pc) =	sbr.abs _section_cstart, $3  }
0xc2: {  	[dreg:$0x1] =	wrdreg $0xFFFFFFFF  }
0xc3: {  	_ =	task.clear_ibuf [dreg:s8], $0x2FFFF;
	_ =	strace $0x9FFFFFFF  }
0xc4: {  	(tm) =	ssettm $0x7FFFFFFF  }
0xc5: {  	_ =	shalt  }
tec
execute0_lowered:
.L_overlay_start_1:
0x0: {  	(tag) =	ssettag $0x1  }
0x1: {  	s0 =	srdreg.scid  }
0x2: {  	s4 =	sand.u32 $0x1, s0;
	s0 =	stileid.u32  }
0x3: {  	s6 =	sor.u32 s0, s4  }
0x4: {  	p0 =	sne.s32 s6, $0x0  }
.Ltmp0:
0x5: {  	_ = 	snop;
	(pc) =	sbr.rel @p0 .LBB2_7-.Ltmp0, $4  }
0x6: {  	s1 =	rddreg [dreg:$0x0]  }
0x7: {  	s3 =	rddreg [dreg:$0x1]  }
0x8: {  	s5 =	rddreg [dreg:$0x2]  }
0x9: {  	s2 =	rddreg [dreg:$0x3];
	_ =	strace $0x8000004A  }
0xa: {  	s6 =	ssub.s32 $0x2, s4;
	v0 =	vimm.f32 $0.0e+00;
	v2 =	vlaneseq.u32;
	s4 =	sadd.s32 $0x2C00, s5  }
0xb: {  	s5 =	sadd.s32 $0x400, s5;
	vm0 =	vcmask $0xF08;
	s8 =	simm.s32 $0x1;
	s9 =	simm.s32 $0x400;
	vm1 =	vcmask $0x1710;
	vm2 =	vcmask $0x1F18  }
0xc: {  	vm3 =	vcmask $0x2720;
	s10 =	simm.s32 $0xC00;
	s11 =	simm.s32 $0x1400;
	vm4 =	vcmask $0x2F28;
	vm5 =	vcmask $0x3730;
	s7 =	sshrl.u32 s6, $0x1  }
0xd: {  	vm6 =	vcmask $0x3F38;
	s12 =	simm.s32 $0x0;
	v1 =	vshrl.u32 v2, $0x1;
	v2 =	vand.u32 $0x1, v2;
	s6 =	ssub.s32 s6, s7;
	s7 =	simm.s32 $0x0  }
.LBB2_2:
0xe: {  	[tilespmem:s7], [sflag:$0x1] =	stream.linear.gather [hbm4b:s1+s7], $0x400, $0x38;
	[tilespmem:$0x6280] =	vst v63  }
0xf: {  	_ =	swait.ge [sflag:s8], $0x400  }
0x10: {  	[sflag:s8] =	ssyncset.done $0x0  }
0x11: {  	[sflag:s8] =	ssyncadd.s32 $0xFFFFFC00  }
0x12: {  	[tilespmem:s9], [sflag:$0x1] =	stream.linear.gather [hbm4b:s3+s7], $0x800, $0x38;
	[tilespmem:$0x6280] =	vst v63  }
0x13: {  	_ =	swait.ge [sflag:s8], $0x800  }
0x14: {  	[sflag:s8] =	ssyncset.done $0x0  }
0x15: {  	[sflag:s8] =	ssyncadd.s32 $0xFFFFF800  }
0x16: {  	[tilespmem:s10], [sflag:$0x1] =	stream.linear.gather [hbm4b:s4+s7], $0x800, $0x38;
	[tilespmem:$0x6280] =	vst v63  }
0x17: {  	_ =	swait.ge [sflag:s8], $0x800  }
0x18: {  	[sflag:s8] =	ssyncset.done $0x0  }
0x19: {  	s13 =	simm.s32 $0x1440;
	[sflag:s8] =	ssyncadd.s32 $0xFFFFF800  }
0x1a: {  	[tilespmem:s13+$0xFFFFFFC0] =	vst v0  }
0x1b: {  	[tilespmem:s13+$0x30] =	vst v0  }
0x1c: {  	[tilespmem:s13+$0x20] =	vst v0  }
0x1d: {  	[tilespmem:s13+$0x10] =	vst v0  }
0x1e: {  	[tilespmem:s13+$0x0] =	vst v0  }
0x1f: {  	[tilespmem:s13+$0xFFFFFFF0] =	vst v0  }
0x20: {  	s14 =	simm.s32 $0x0;
	[tilespmem:s13+$0xFFFFFFE0] =	vst v0  }
.LBB2_3:
0x21: {  	s14 =	sadd.s32 $0x8, s14;
	[tilespmem:s13+$0xFFFFFFD0] =	vst v0;
	s13 =	sadd.s32 $0x80, s13  }
0x22: {  	[tilespmem:s13+$0xFFFFFFC0] =	vst v0;
	p0 =	slt.u32 s14, $0x4D8  }
0x23: {  	[tilespmem:s13+$0x30] =	vst v0  }
.Ltmp1:
0x24: {  	[tilespmem:s13+$0x20] =	vst v0;
	(pc) =	sbr.rel @p0 .LBB2_3-.Ltmp1, $4  }
0x25: {  	[tilespmem:s13+$0x10] =	vst v0  }
0x26: {  	[tilespmem:s13+$0x0] =	vst v0  }
0x27: {  	[tilespmem:s13+$0xFFFFFFF0] =	vst v0  }
0x28: {  	[tilespmem:s13+$0xFFFFFFE0] =	vst v0  }
0x29: {  	[tilespmem:s13+$0xFFFFFFD0] =	vst v0  }
0x2a: {  	s13 =	simm.s32 $0xFFFFFFFE;
	[tilespmem:$0x6200] =	vst v0  }
0x2b: {  	s14 =	simm.s32 $0x0;
	s15 =	simm.s32 $0x420;
	s16 =	simm.s32 $0xC20;
	[tilespmem:$0x6210] =	vst v0  }
.LBB2_5:
0x2c: {  	v3 =	vor.u32 s14, v1;
	_ =	sdelay $0x4  }
0x2d: {  	v3 =	vld.idx.msk [tilespmem:v3+s7+$0x0], $0xffff;
	_ =	sdelay $0x2  }
0x2e: {  	v4 =	vld [tilespmem:s15+$0xFFFFFFE0]  }
0x2f: {  	v5 =	vld [tilespmem:s16+$0xFFFFFFE0]  }
0x30: {  	v3 =	vshll.u32 v3, $0x1  }
0x31: {  	v3 =	vor.u32 v2, v3;
	_ =	sdelay $0x2  }
0x32: {  	v4 =	vadd.f32 v5, v4;
	_ =	sdelay $0x1  }
0x33: {  	[tilespmem:v3+s11+$0x0] =	vst.idx.msk $0x3, v4  }
0x34: {  	[tilespmem:v3+s11+$0x0] =	vst.idx.msk vm0, v4  }
0x35: {  	s17 =	sadd.s32 $0x8, s14;
	[tilespmem:v3+s11+$0x0] =	vst.idx.msk vm1, v4  }
0x36: {  	v58 =	vor.u32 s17, v1;
	[tilespmem:v3+s11+$0x0] =	vst.idx.msk vm2, v4  }
0x37: {  	[tilespmem:v3+s11+$0x0] =	vst.idx.msk vm3, v4  }
0x38: {  	[tilespmem:v3+s11+$0x0] =	vst.idx.msk vm4, v4  }
0x39: {  	[tilespmem:v3+s11+$0x0] =	vst.idx.msk vm5, v4  }
0x3a: {  	[tilespmem:v3+s11+$0x0] =	vst.idx.msk vm6, v4  }
0x3b: {  	v3 =	vld.idx.msk [tilespmem:v58+s7+$0x0], $0xffff;
	_ =	sdelay $0x2  }
0x3c: {  	v4 =	vld [tilespmem:s15+$0xFFFFFFF0]  }
0x3d: {  	v59 =	vld [tilespmem:s16+$0xFFFFFFF0]  }
0x3e: {  	v3 =	vshll.u32 v3, $0x1  }
0x3f: {  	v3 =	vor.u32 v2, v3;
	_ =	sdelay $0x2  }
0x40: {  	v4 =	vadd.f32 v59, v4;
	_ =	sdelay $0x1  }
0x41: {  	[tilespmem:v3+s11+$0x0] =	vst.idx.msk $0x3, v4  }
0x42: {  	[tilespmem:v3+s11+$0x0] =	vst.idx.msk vm0, v4  }
0x43: {  	s30 =	sadd.s32 $0x10, s14;
	[tilespmem:v3+s11+$0x0] =	vst.idx.msk vm1, v4  }
0x44: {  	v60 =	vor.u32 s30, v1;
	[tilespmem:v3+s11+$0x0] =	vst.idx.msk vm2, v4  }
0x45: {  	[tilespmem:v3+s11+$0x0] =	vst.idx.msk vm3, v4  }
0x46: {  	[tilespmem:v3+s11+$0x0] =	vst.idx.msk vm4, v4  }
0x47: {  	[tilespmem:v3+s11+$0x0] =	vst.idx.msk vm5, v4  }
0x48: {  	[tilespmem:v3+s11+$0x0] =	vst.idx.msk vm6, v4  }
0x49: {  	v3 =	vld.idx.msk [tilespmem:v60+s7+$0x0], $0xffff;
	_ =	sdelay $0x2  }
0x4a: {  	v4 =	vld [tilespmem:s15+$0x0]  }
0x4b: {  	v61 =	vld [tilespmem:s16+$0x0]  }
0x4c: {  	v3 =	vshll.u32 v3, $0x1  }
0x4d: {  	v3 =	vor.u32 v2, v3;
	_ =	sdelay $0x2  }
0x4e: {  	v4 =	vadd.f32 v61, v4;
	_ =	sdelay $0x1  }
0x4f: {  	[tilespmem:v3+s11+$0x0] =	vst.idx.msk $0x3, v4  }
0x50: {  	[tilespmem:v3+s11+$0x0] =	vst.idx.msk vm0, v4  }
0x51: {  	s31 =	sadd.s32 $0x18, s14;
	[tilespmem:v3+s11+$0x0] =	vst.idx.msk vm1, v4  }
0x52: {  	v62 =	vor.u32 s31, v1;
	[tilespmem:v3+s11+$0x0] =	vst.idx.msk vm2, v4  }
0x53: {  	[tilespmem:v3+s11+$0x0] =	vst.idx.msk vm3, v4  }
0x54: {  	[tilespmem:v3+s11+$0x0] =	vst.idx.msk vm4, v4  }
0x55: {  	[tilespmem:v3+s11+$0x0] =	vst.idx.msk vm5, v4  }
0x56: {  	[tilespmem:v3+s11+$0x0] =	vst.idx.msk vm6, v4  }
0x57: {  	v3 =	vld.idx.msk [tilespmem:v62+s7+$0x0], $0xffff;
	_ =	sdelay $0x2  }
0x58: {  	v4 =	vld [tilespmem:s15+$0x10]  }
0x59: {  	v63 =	vld [tilespmem:s16+$0x10]  }
0x5a: {  	v3 =	vshll.u32 v3, $0x1  }
0x5b: {  	v3 =	vor.u32 v2, v3;
	_ =	sdelay $0x2  }
0x5c: {  	v4 =	vadd.f32 v63, v4;
	_ =	sdelay $0x1  }
0x5d: {  	[tilespmem:v3+s11+$0x0] =	vst.idx.msk $0x3, v4  }
0x5e: {  	s13 =	sadd.s32 $0x2, s13;
	[tilespmem:v3+s11+$0x0] =	vst.idx.msk vm0, v4  }
0x5f: {  	p0 =	slt.u32 s13, $0x3E;
	[tilespmem:v3+s11+$0x0] =	vst.idx.msk vm1, v4  }
.Ltmp2:
0x60: {  	[tilespmem:v3+s11+$0x0] =	vst.idx.msk vm2, v4;
	(pc) =	sbr.rel @p0 .LBB2_5-.Ltmp2, $4  }
0x61: {  	[tilespmem:v3+s11+$0x0] =	vst.idx.msk vm3, v4  }
0x62: {  	[tilespmem:v3+s11+$0x0] =	vst.idx.msk vm4, v4  }
0x63: {  	[tilespmem:v3+s11+$0x0] =	vst.idx.msk vm5, v4  }
0x64: {  	s14 =	sadd.s32 $0x20, s14;
	s15 =	sadd.s32 $0x40, s15;
	s16 =	sadd.s32 $0x40, s16;
	[tilespmem:v3+s11+$0x0] =	vst.idx.msk vm6, v4  }
0x65: {  	s12 =	sadd.s32 $0x1, s12  }
0x66: {  	p0 =	sne.s32 s12, s6  }
.Ltmp3:
0x67: {  	_ = 	snop;
	(pc) =	sbr.rel @p0 .LBB2_2-.Ltmp3, $4  }
0x68: {  	[hbm4b:s5+s7] =	stream.linear.scatter [tilespmem:s11], [sflag:$0x1], $0x4E80, $0x38;
	[tilespmem:$0x6280] =	vst v63  }
0x69: {  	_ =	swait.ge [sflag:s8], $0x4E80  }
0x6a: {  	[sflag:s8] =	ssyncset.done $0x0  }
0x6b: {  	[sflag:s8] =	ssyncadd.s32 $0xFFFFB180  }
.LBB2_7:
0x6c: {  	_ =	sfence.sel $0x180000  }
0x6d: {  	[bflag:$0x0] =	sbarrier.arrive $0xFFFF  }
0x6e: {  	p0 =	sne.s32 s0, $0x0;
	_ =	strace $0x9000004A  }
0x6f: {  	s0 =	sadd.s32 @!p0 $0x100000, s2;
	[bflag:$0x2] =	sbarrier.arrive $0xFFFF  }
0x70: {  	[sflag:s0] =	ssyncadd.tile.s32 @!p0 $0x1;
	_ =	shalt  }
.Lfunc_end2:
_tile_overlayer_lowered:
.L_overlay_start_2:
0x71: {  	(tag) =	ssettag $0x2  }
0x72: {  	s0 =	rddreg [dreg:$0x0];
	s2 =	stileid.u32  }
0x73: {  	s1 =	rddreg [dreg:$0x1];
	p0 =	sne.s32 s2, $0x0  }
0x74: {  	s3 =	rddreg [dreg:$0x2];
	[bflag:$0x3] =	sbarrier.arrive $0xFFFF;
	s2 =	simm.s32 @!p0 $0x1C01  }
0x75: {  	[timem:s3], [sflag:s2] =	dma.local @!p0 [hbm:s0], s1  }
0x76: {  	s0 =	simm.s32 @!p0 $0x1  }
0x77: {  	_ =	swait.ge @!p0 [sflag:s0], s1  }
0x78: {  	s1 =	ssub.s32 @!p0 $0x0, s1;
	[sflag:s0] =	ssyncset.done @!p0 $0x0  }
0x79: {  	[sflag:s0] =	ssyncadd.s32 @!p0 s1  }
0x7a: {  	[bflag:$0x3] =	sbarrier.arrive $0xFFFF  }
0x7b: {  	_ =	shalt  }

</sc_bundles>
